<compile_context>
chip_gen: v7x
topology: tpu7x:2x2x1
jax: 0.10.2.dev20260603
libtpu: 0.0.44.dev20260713+nightly
codegen_flags: <defaults>
</compile_context>

<pallas_src>
import functools

import jax
import jax.numpy as jnp
from jax import lax
from jax.experimental import pallas as pl
from jax.experimental.pallas import tpu as pltpu
from jax.experimental.pallas import tpu_sc as plsc


def _argmin_body(x_ref, e_ref, idx_ref, *, K, BB):
    E = e_ref[...]
    C = x_ref.shape[1]
    T = x_ref.shape[2] * x_ref.shape[3]
    ones = jnp.ones((C, 1), jnp.float32)
    esq_col = lax.dot_general(E * E, ones, (((0,), (0,)), ((), ())),
                              precision=lax.Precision.HIGHEST,
                              preferred_element_type=jnp.float32)
    E16 = E.astype(jnp.bfloat16)
    for i in range(BB):
        xb = x_ref[i].reshape(C, T)
        simT = lax.dot_general(E16, xb.astype(jnp.bfloat16),
                               (((0,), (0,)), ((), ())),
                               preferred_element_type=jnp.float32)
        xsq_row = jnp.sum(xb * xb, axis=0, keepdims=True)
        scoresT = (xsq_row + esq_col) - 2.0 * simT
        idx_row = jnp.argmin(scoresT, axis=0).astype(jnp.int32)
        idx_ref[pl.ds(i * T, T)] = idx_row


def _sc_gather_body(idx_hbm, e_hbm, out_hbm, out2_hbm,
                    idx_v, e_v, out_v, *, HW, CH, NH):
    cid = lax.axis_index("c")
    sid = lax.axis_index("s")
    wid = sid * 2 + cid
    b = wid // NH
    h = wid % NH
    pltpu.sync_copy(idx_hbm.at[pl.ds(b * HW, HW)], idx_v)
    pltpu.sync_copy(e_hbm.at[pl.ds(h * CH, CH)], e_v)

    UNROLL = 4

    def step(t, carry):
        for u in range(UNROLL):
            base = (t * UNROLL + u) * 16
            iv = idx_v[pl.ds(base, 16)]
            rows = [plsc.load_gather(e_v, [jnp.full((16,), c, jnp.int32), iv])
                    for c in range(CH)]
            for c in range(CH):
                out_v[c, pl.ds(base, 16)] = rows[c]
        return carry

    lax.fori_loop(0, HW // (16 * UNROLL), step, 0)
    pltpu.sync_copy(out_v, out_hbm.at[b, pl.ds(h * CH, CH)])
    pltpu.sync_copy(out_v, out2_hbm.at[b, pl.ds(h * CH, CH)])


def kernel(x, embeddings):
    B, C, H, W = x.shape
    Cd, K = embeddings.shape
    HW = H * W

    BB = 4
    NCHUNK = 2
    CB = B // NCHUNK

    def tc_argmin(chunk):
        return pl.pallas_call(
            functools.partial(_argmin_body, K=K, BB=BB),
            grid=(CB // BB,),
            in_specs=[
                pl.BlockSpec((BB, C, H, W),
                             lambda b, c=chunk: (c * (CB // BB) + b, 0, 0, 0)),
                pl.BlockSpec((Cd, K), lambda b: (0, 0)),
            ],
            out_specs=pl.BlockSpec((BB * HW,), lambda b: (b,)),
            out_shape=jax.ShapeDtypeStruct((CB * HW,), jnp.int32),
        )(x, embeddings)

    NH = 32 // CB
    CH = C // NH
    mesh = plsc.VectorSubcoreMesh(core_axis_name="c", subcore_axis_name="s")

    def sc_gather(idx2):
        return pl.kernel(
            functools.partial(_sc_gather_body, HW=HW, CH=CH, NH=NH),
            out_type=(jax.ShapeDtypeStruct((CB, C, HW), jnp.float32),
                      jax.ShapeDtypeStruct((CB, C, HW), jnp.float32)),
            mesh=mesh,
            compiler_params=pltpu.CompilerParams(use_tc_tiling_on_sc=False,
                                                 needs_layout_passes=False),
            scratch_types=[
                pltpu.VMEM((HW,), jnp.int32),
                pltpu.VMEM((CH, K), jnp.float32),
                pltpu.VMEM((CH, HW), jnp.float32),
            ],
        )(idx2, embeddings)

    idxs = [tc_argmin(c) for c in range(NCHUNK)]
    scs = [sc_gather(i) for i in idxs]

    q = jnp.concatenate([s[0] for s in scs], axis=0).reshape(B, C, H, W)
    q2 = jnp.concatenate([s[1] for s in scs], axis=0).reshape(B, C, H, W)
    idx_flat = jnp.concatenate(idxs, axis=0)
    return (q, q2, idx_flat)

# --- scband reference (transcript-rebuilt; emitter-appended) ---
"""Pipeline reference for scband-simple-vector-quantizer-41154376630734 (READ-ONLY COPY).

The authoritative reference and input builder live on the scoring server;
editing this copy changes nothing except your own understanding.
"""

import jax, jax.numpy as jnp
import numpy as np


def setup_inputs(seed: int = 0) -> dict:
    key = jax.random.key(seed)
    k1, k2 = jax.random.split(key)
    # x: [B, C, H, W] with C == embedding_dim
    x = jax.random.normal(k1, (16, 32, 32, 32), dtype=jnp.float32)
    # embeddings parameter: [embedding_dim, num_embeddings], uniform init like torch
    embeddings = jax.random.uniform(k2, (32, 1024), dtype=jnp.float32)
    return {"x": x, "embeddings": embeddings}


def reference(x, embeddings):
    embedding_dim = embeddings.shape[0]
    num_embeddings = embeddings.shape[1]
    # permute(0, 2, 3, 1)
    input_permuted = jnp.transpose(x, (0, 2, 3, 1))
    flattened = input_permuted.reshape(-1, embedding_dim)
    # get_code_indices
    similarity = jnp.matmul(flattened, embeddings)
    distances = (jnp.sum(flattened ** 2, axis=1, keepdims=True)
                 + jnp.sum(embeddings ** 2, axis=0)
                 - 2.0 * similarity)
    encoding_indices = jnp.argmin(distances, axis=1)
    # one-hot + matmul with embeddings.T (faithful to original)
    encodings = jax.nn.one_hot(encoding_indices, num_embeddings, dtype=jnp.float32)
    quantized = jnp.matmul(encodings, embeddings.T)
    quantized = quantized.reshape(input_permuted.shape)
    # straight-through estimator
    quantized_with_grad = input_permuted + jax.lax.stop_gradient(quantized - input_permuted)
    quantized_with_grad = jnp.transpose(quantized_with_grad, (0, 3, 1, 2))
    quantized = jnp.transpose(quantized, (0, 3, 1, 2))
    return (quantized_with_grad, quantized, encoding_indices)

if __name__ == "__main__":
    import jax
    _d = setup_inputs()
    print(jax.jit(kernel)(*tuple(_d.values())))

</pallas_src>

<mosaic_0001>
#map = affine_map<(d0, d1) -> (0)>
#map1 = affine_map<(d0, d1) -> (0, 0)>
#map2 = affine_map<(d0, d1) -> (0, 0, 0)>
module attributes {stable_mosaic.version = 14 : i64} {
  func.func @_sc_gather_body(%arg0: i32, %arg1: i32, %arg2: memref<8192xi32, #tpu.memory_space<hbm>>, %arg3: memref<32x1024xf32, #tpu.memory_space<hbm>>, %arg4: memref<8x32x1024xf32, #tpu.memory_space<hbm>>, %arg5: memref<8x32x1024xf32, #tpu.memory_space<hbm>>, %arg6: memref<1024xi32, #tpu.memory_space<vmem>>, %arg7: memref<8x1024xf32, #tpu.memory_space<vmem>>, %arg8: memref<8x1024xf32, #tpu.memory_space<vmem>>) attributes {dimension_semantics = [#tpu.dimension_semantics<core_parallel>, #tpu.dimension_semantics<subcore_parallel>], iteration_bounds = array<i64: 2, 16>, scalar_prefetch = 0 : i64, scratch_operands = 3 : i64, tpu.core_type = #tpu.core_type<sc_vector_subcore>, window_params = [{transform_indices = #map}, {transform_indices = #map1}, {transform_indices = #map2}, {transform_indices = #map2}]} {
    %mul3A = arith.constant 2 : i32
    %mul3A_0 = arith.muli %arg1, %mul3A : i32
    %add3A = arith.addi %mul3A_0, %arg0 : i32
    %jit3A = arith.constant 4 : i32
    %div3A = arith.divsi %add3A, %jit3A : i32
    %sign3A = arith.constant 0 : i32
    %sign3A_1 = arith.cmpi sgt, %add3A, %sign3A : i32
    %sign3A_2 = arith.extui %sign3A_1 : i1 to i32
    %sign3A_3 = arith.constant 0 : i32
    %sign3A_4 = arith.cmpi slt, %add3A, %sign3A_3 : i32
    %sign3A_5 = arith.extui %sign3A_4 : i1 to i32
    %sign3A_6 = arith.subi %sign3A_2, %sign3A_5 : i32
    %sign3A_7 = arith.constant 0 : i32
    %sign3A_8 = arith.cmpi sgt, %jit3A, %sign3A_7 : i32
    %sign3A_9 = arith.extui %sign3A_8 : i1 to i32
    %sign3A_10 = arith.constant 0 : i32
    %sign3A_11 = arith.cmpi slt, %jit3A, %sign3A_10 : i32
    %sign3A_12 = arith.extui %sign3A_11 : i1 to i32
    %sign3A_13 = arith.subi %sign3A_9, %sign3A_12 : i32
    %ne3A = arith.cmpi ne, %sign3A_6, %sign3A_13 : i32
    %rem3A = arith.remsi %add3A, %jit3A : i32
    %ne3A_14 = arith.constant 0 : i32
    %ne3A_15 = arith.cmpi ne, %rem3A, %ne3A_14 : i32
    %and3A = arith.andi %ne3A, %ne3A_15 : i1
    %sub3A = arith.constant 1 : i32
    %sub3A_16 = arith.subi %div3A, %sub3A : i32
    %select_n3A = arith.select %and3A, %sub3A_16, %div3A : i32
    %jit3A_17 = arith.constant 4 : i32
    %eq3A = arith.constant 0 : i32
    %eq3A_18 = arith.cmpi eq, %jit3A_17, %eq3A : i32
    %jit3A_19 = arith.constant 1 : i32
    %select_n3A_20 = arith.select %eq3A_18, %jit3A_19, %jit3A_17 : i32
    %rem3A_21 = arith.remsi %add3A, %select_n3A_20 : i32
    %ne3A_22 = arith.constant 0 : i32
    %ne3A_23 = arith.cmpi ne, %rem3A_21, %ne3A_22 : i32
    %lt3A = arith.constant 0 : i32
    %lt3A_24 = arith.cmpi slt, %rem3A_21, %lt3A : i32
    %lt3A_25 = arith.constant 0 : i32
    %lt3A_26 = arith.cmpi slt, %select_n3A_20, %lt3A_25 : i32
    %ne3A_27 = arith.xori %lt3A_24, %lt3A_26 : i1
    %and3A_28 = arith.andi %ne3A_27, %ne3A_23 : i1
    %add3A_29 = arith.addi %rem3A_21, %select_n3A_20 : i32
    %select_n3A_30 = arith.select %and3A_28, %add3A_29, %rem3A_21 : i32
    %mul3A_31 = arith.constant 1024 : i32
    %mul3A_32 = arith.muli %select_n3A, %mul3A_31 : i32
    "tpu.region"() ({
      %run_scoped3A = tpu.sem_alloc : memref<!tpu.dma_semaphore, #tpu.memory_space<semaphore_mem>>
      %dma_start3A = tpu.memref_slice %arg2[%mul3A_32] : memref<8192xi32, #tpu.memory_space<hbm>> -> memref<1024xi32, #tpu.memory_space<hbm>>
      %dma_start3A_44 = tpu.memref_slice %arg2[%mul3A_32] : memref<8192xi32, #tpu.memory_space<hbm>> -> memref<1024xi32, #tpu.memory_space<hbm>>
      tpu.enqueue_dma source(%dma_start3A_44 : memref<1024xi32, #tpu.memory_space<hbm>>) target(%arg6 : memref<1024xi32, #tpu.memory_space<vmem>>) target_semaphore(%run_scoped3A : memref<!tpu.dma_semaphore, #tpu.memory_space<semaphore_mem>>)
      %dma_wait3A = tpu.memref_slice %arg2[%mul3A_32] : memref<8192xi32, #tpu.memory_space<hbm>> -> memref<1024xi32, #tpu.memory_space<hbm>>
      %dma_wait3A_45 = tpu.memref_slice %arg2[%mul3A_32] : memref<8192xi32, #tpu.memory_space<hbm>> -> memref<1024xi32, #tpu.memory_space<hbm>>
      tpu.wait_dma2 semaphore(%run_scoped3A : memref<!tpu.dma_semaphore, #tpu.memory_space<semaphore_mem>>) src(%dma_wait3A_45 : memref<1024xi32, #tpu.memory_space<hbm>>) dst(%arg6 : memref<1024xi32, #tpu.memory_space<vmem>>)
      tpu.yield
    }) : () -> ()
    %mul3A_33 = arith.constant 8 : i32
    %mul3A_34 = arith.muli %select_n3A_30, %mul3A_33 : i32
    "tpu.region"() ({
      %run_scoped3A = tpu.sem_alloc : memref<!tpu.dma_semaphore, #tpu.memory_space<semaphore_mem>>
      %dma_start3A = arith.constant 0 : i32
      %dma_start3A_44 = tpu.memref_slice %arg3[%mul3A_34, %dma_start3A] : memref<32x1024xf32, #tpu.memory_space<hbm>> -> memref<8x1024xf32, #tpu.memory_space<hbm>>
      %dma_start3A_45 = arith.constant 0 : i32
      %dma_start3A_46 = tpu.memref_slice %arg3[%mul3A_34, %dma_start3A_45] : memref<32x1024xf32, #tpu.memory_space<hbm>> -> memref<8x1024xf32, #tpu.memory_space<hbm>>
      tpu.enqueue_dma source(%dma_start3A_46 : memref<8x1024xf32, #tpu.memory_space<hbm>>) target(%arg7 : memref<8x1024xf32, #tpu.memory_space<vmem>>) target_semaphore(%run_scoped3A : memref<!tpu.dma_semaphore, #tpu.memory_space<semaphore_mem>>)
      %dma_wait3A = arith.constant 0 : i32
      %dma_wait3A_47 = tpu.memref_slice %arg3[%mul3A_34, %dma_wait3A] : memref<32x1024xf32, #tpu.memory_space<hbm>> -> memref<8x1024xf32, #tpu.memory_space<hbm>>
      %dma_wait3A_48 = arith.constant 0 : i32
      %dma_wait3A_49 = tpu.memref_slice %arg3[%mul3A_34, %dma_wait3A_48] : memref<32x1024xf32, #tpu.memory_space<hbm>> -> memref<8x1024xf32, #tpu.memory_space<hbm>>
      tpu.wait_dma2 semaphore(%run_scoped3A : memref<!tpu.dma_semaphore, #tpu.memory_space<semaphore_mem>>) src(%dma_wait3A_49 : memref<8x1024xf32, #tpu.memory_space<hbm>>) dst(%arg7 : memref<8x1024xf32, #tpu.memory_space<vmem>>)
      tpu.yield
    }) : () -> ()
    %scan3A = arith.constant 0 : i32
    %scan3A_35 = arith.constant 0 : i32
    %scan3A_36 = arith.constant 16 : i32
    %scan3A_37 = arith.addi %scan3A_35, %scan3A_36 : i32
    %scan3A_38 = arith.constant 1 : i32
    scf.for %scan3A_44 = %scan3A_35 to %scan3A_37 step %scan3A_38  : i32 {
      %mul3A_45 = arith.constant 4 : i32
      %mul3A_46 = arith.muli %scan3A_44, %mul3A_45 : i32
      %add3A_47 = arith.constant 0 : i32
      %add3A_48 = arith.addi %mul3A_46, %add3A_47 : i32
      %mul3A_49 = arith.constant 16 : i32
      %mul3A_50 = arith.muli %add3A_48, %mul3A_49 : i32
      %get3A = arith.index_cast %mul3A_50 : i32 to index
      %get3A_51 = tpu.vector_load %arg6[%get3A] {strides = array<i32>} : memref<1024xi32, #tpu.memory_space<vmem>>, vector<16xi32>,
      %broadcast_in_dim3A = arith.constant 0 : i32
      %broadcast_in_dim3A_52 = vector.broadcast %broadcast_in_dim3A : i32 to vector<16xi32>
      %gather3A = tpu.vector_load_idx %arg7[%broadcast_in_dim3A_52, %get3A_51] : memref<8x1024xf32, #tpu.memory_space<vmem>>[vector<16xi32>, vector<16xi32>], vector<16xf32>,
      %broadcast_in_dim3A_53 = arith.constant 1 : i32
      %broadcast_in_dim3A_54 = vector.broadcast %broadcast_in_dim3A_53 : i32 to vector<16xi32>
      %gather3A_55 = tpu.vector_load_idx %arg7[%broadcast_in_dim3A_54, %get3A_51] : memref<8x1024xf32, #tpu.memory_space<vmem>>[vector<16xi32>, vector<16xi32>], vector<16xf32>,
      %broadcast_in_dim3A_56 = arith.constant 2 : i32
      %broadcast_in_dim3A_57 = vector.broadcast %broadcast_in_dim3A_56 : i32 to vector<16xi32>
      %gather3A_58 = tpu.vector_load_idx %arg7[%broadcast_in_dim3A_57, %get3A_51] : memref<8x1024xf32, #tpu.memory_space<vmem>>[vector<16xi32>, vector<16xi32>], vector<16xf32>,
      %broadcast_in_dim3A_59 = arith.constant 3 : i32
      %broadcast_in_dim3A_60 = vector.broadcast %broadcast_in_dim3A_59 : i32 to vector<16xi32>
      %gather3A_61 = tpu.vector_load_idx %arg7[%broadcast_in_dim3A_60, %get3A_51] : memref<8x1024xf32, #tpu.memory_space<vmem>>[vector<16xi32>, vector<16xi32>], vector<16xf32>,
      %broadcast_in_dim3A_62 = arith.constant 4 : i32
      %broadcast_in_dim3A_63 = vector.broadcast %broadcast_in_dim3A_62 : i32 to vector<16xi32>
      %gather3A_64 = tpu.vector_load_idx %arg7[%broadcast_in_dim3A_63, %get3A_51] : memref<8x1024xf32, #tpu.memory_space<vmem>>[vector<16xi32>, vector<16xi32>], vector<16xf32>,
      %broadcast_in_dim3A_65 = arith.constant 5 : i32
      %broadcast_in_dim3A_66 = vector.broadcast %broadcast_in_dim3A_65 : i32 to vector<16xi32>
      %gather3A_67 = tpu.vector_load_idx %arg7[%broadcast_in_dim3A_66, %get3A_51] : memref<8x1024xf32, #tpu.memory_space<vmem>>[vector<16xi32>, vector<16xi32>], vector<16xf32>,
      %broadcast_in_dim3A_68 = arith.constant 6 : i32
      %broadcast_in_dim3A_69 = vector.broadcast %broadcast_in_dim3A_68 : i32 to vector<16xi32>
      %gather3A_70 = tpu.vector_load_idx %arg7[%broadcast_in_dim3A_69, %get3A_51] : memref<8x1024xf32, #tpu.memory_space<vmem>>[vector<16xi32>, vector<16xi32>], vector<16xf32>,
      %broadcast_in_dim3A_71 = arith.constant 7 : i32
      %broadcast_in_dim3A_72 = vector.broadcast %broadcast_in_dim3A_71 : i32 to vector<16xi32>
      %gather3A_73 = tpu.vector_load_idx %arg7[%broadcast_in_dim3A_72, %get3A_51] : memref<8x1024xf32, #tpu.memory_space<vmem>>[vector<16xi32>, vector<16xi32>], vector<16xf32>,
      %swap3A = arith.constant 0 : i32
      %swap3A_74 = arith.index_cast %swap3A : i32 to index
      %swap3A_75 = arith.index_cast %mul3A_50 : i32 to index
      %swap3A_76 = tpu.vector_load %arg8[%swap3A_74, %swap3A_75] {strides = array<i32>} : memref<8x1024xf32, #tpu.memory_space<vmem>>, vector<16xf32>,
      tpu.vector_store %arg8[%swap3A_74, %swap3A_75], %gather3A {strides = array<i32>} : memref<8x1024xf32, #tpu.memory_space<vmem>>, vector<16xf32>,
      %swap3A_77 = arith.constant 1 : i32
      %swap3A_78 = arith.index_cast %swap3A_77 : i32 to index
      %swap3A_79 = arith.index_cast %mul3A_50 : i32 to index
      %swap3A_80 = tpu.vector_load %arg8[%swap3A_78, %swap3A_79] {strides = array<i32>} : memref<8x1024xf32, #tpu.memory_space<vmem>>, vector<16xf32>,
      tpu.vector_store %arg8[%swap3A_78, %swap3A_79], %gather3A_55 {strides = array<i32>} : memref<8x1024xf32, #tpu.memory_space<vmem>>, vector<16xf32>,
      %swap3A_81 = arith.constant 2 : i32
      %swap3A_82 = arith.index_cast %swap3A_81 : i32 to index
      %swap3A_83 = arith.index_cast %mul3A_50 : i32 to index
      %swap3A_84 = tpu.vector_load %arg8[%swap3A_82, %swap3A_83] {strides = array<i32>} : memref<8x1024xf32, #tpu.memory_space<vmem>>, vector<16xf32>,
      tpu.vector_store %arg8[%swap3A_82, %swap3A_83], %gather3A_58 {strides = array<i32>} : memref<8x1024xf32, #tpu.memory_space<vmem>>, vector<16xf32>,
      %swap3A_85 = arith.constant 3 : i32
      %swap3A_86 = arith.index_cast %swap3A_85 : i32 to index
      %swap3A_87 = arith.index_cast %mul3A_50 : i32 to index
      %swap3A_88 = tpu.vector_load %arg8[%swap3A_86, %swap3A_87] {strides = array<i32>} : memref<8x1024xf32, #tpu.memory_space<vmem>>, vector<16xf32>,
      tpu.vector_store %arg8[%swap3A_86, %swap3A_87], %gather3A_61 {strides = array<i32>} : memref<8x1024xf32, #tpu.memory_space<vmem>>, vector<16xf32>,
      %swap3A_89 = arith.constant 4 : i32
      %swap3A_90 = arith.index_cast %swap3A_89 : i32 to index
      %swap3A_91 = arith.index_cast %mul3A_50 : i32 to index
      %swap3A_92 = tpu.vector_load %arg8[%swap3A_90, %swap3A_91] {strides = array<i32>} : memref<8x1024xf32, #tpu.memory_space<vmem>>, vector<16xf32>,
      tpu.vector_store %arg8[%swap3A_90, %swap3A_91], %gather3A_64 {strides = array<i32>} : memref<8x1024xf32, #tpu.memory_space<vmem>>, vector<16xf32>,
      %swap3A_93 = arith.constant 5 : i32
      %swap3A_94 = arith.index_cast %swap3A_93 : i32 to index
      %swap3A_95 = arith.index_cast %mul3A_50 : i32 to index
      %swap3A_96 = tpu.vector_load %arg8[%swap3A_94, %swap3A_95] {strides = array<i32>} : memref<8x1024xf32, #tpu.memory_space<vmem>>, vector<16xf32>,
      tpu.vector_store %arg8[%swap3A_94, %swap3A_95], %gather3A_67 {strides = array<i32>} : memref<8x1024xf32, #tpu.memory_space<vmem>>, vector<16xf32>,
      %swap3A_97 = arith.constant 6 : i32
      %swap3A_98 = arith.index_cast %swap3A_97 : i32 to index
      %swap3A_99 = arith.index_cast %mul3A_50 : i32 to index
      %swap3A_100 = tpu.vector_load %arg8[%swap3A_98, %swap3A_99] {strides = array<i32>} : memref<8x1024xf32, #tpu.memory_space<vmem>>, vector<16xf32>,
      tpu.vector_store %arg8[%swap3A_98, %swap3A_99], %gather3A_70 {strides = array<i32>} : memref<8x1024xf32, #tpu.memory_space<vmem>>, vector<16xf32>,
      %swap3A_101 = arith.constant 7 : i32
      %swap3A_102 = arith.index_cast %swap3A_101 : i32 to index
      %swap3A_103 = arith.index_cast %mul3A_50 : i32 to index
      %swap3A_104 = tpu.vector_load %arg8[%swap3A_102, %swap3A_103] {strides = array<i32>} : memref<8x1024xf32, #tpu.memory_space<vmem>>, vector<16xf32>,
      tpu.vector_store %arg8[%swap3A_102, %swap3A_103], %gather3A_73 {strides = array<i32>} : memref<8x1024xf32, #tpu.memory_space<vmem>>, vector<16xf32>,
      %mul3A_105 = arith.constant 4 : i32
      %mul3A_106 = arith.muli %scan3A_44, %mul3A_105 : i32
      %add3A_107 = arith.constant 1 : i32
      %add3A_108 = arith.addi %mul3A_106, %add3A_107 : i32
      %mul3A_109 = arith.constant 16 : i32
      %mul3A_110 = arith.muli %add3A_108, %mul3A_109 : i32
      %get3A_111 = arith.index_cast %mul3A_110 : i32 to index
      %get3A_112 = tpu.vector_load %arg6[%get3A_111] {strides = array<i32>} : memref<1024xi32, #tpu.memory_space<vmem>>, vector<16xi32>,
      %broadcast_in_dim3A_113 = arith.constant 0 : i32
      %broadcast_in_dim3A_114 = vector.broadcast %broadcast_in_dim3A_113 : i32 to vector<16xi32>
      %gather3A_115 = tpu.vector_load_idx %arg7[%broadcast_in_dim3A_114, %get3A_112] : memref<8x1024xf32, #tpu.memory_space<vmem>>[vector<16xi32>, vector<16xi32>], vector<16xf32>,
      %broadcast_in_dim3A_116 = arith.constant 1 : i32
      %broadcast_in_dim3A_117 = vector.broadcast %broadcast_in_dim3A_116 : i32 to vector<16xi32>
      %gather3A_118 = tpu.vector_load_idx %arg7[%broadcast_in_dim3A_117, %get3A_112] : memref<8x1024xf32, #tpu.memory_space<vmem>>[vector<16xi32>, vector<16xi32>], vector<16xf32>,
      %broadcast_in_dim3A_119 = arith.constant 2 : i32
      %broadcast_in_dim3A_120 = vector.broadcast %broadcast_in_dim3A_119 : i32 to vector<16xi32>
      %gather3A_121 = tpu.vector_load_idx %arg7[%broadcast_in_dim3A_120, %get3A_112] : memref<8x1024xf32, #tpu.memory_space<vmem>>[vector<16xi32>, vector<16xi32>], vector<16xf32>,
      %broadcast_in_dim3A_122 = arith.constant 3 : i32
      %broadcast_in_dim3A_123 = vector.broadcast %broadcast_in_dim3A_122 : i32 to vector<16xi32>
      %gather3A_124 = tpu.vector_load_idx %arg7[%broadcast_in_dim3A_123, %get3A_112] : memref<8x1024xf32, #tpu.memory_space<vmem>>[vector<16xi32>, vector<16xi32>], vector<16xf32>,
      %broadcast_in_dim3A_125 = arith.constant 4 : i32
      %broadcast_in_dim3A_126 = vector.broadcast %broadcast_in_dim3A_125 : i32 to vector<16xi32>
      %gather3A_127 = tpu.vector_load_idx %arg7[%broadcast_in_dim3A_126, %get3A_112] : memref<8x1024xf32, #tpu.memory_space<vmem>>[vector<16xi32>, vector<16xi32>], vector<16xf32>,
      %broadcast_in_dim3A_128 = arith.constant 5 : i32
      %broadcast_in_dim3A_129 = vector.broadcast %broadcast_in_dim3A_128 : i32 to vector<16xi32>
      %gather3A_130 = tpu.vector_load_idx %arg7[%broadcast_in_dim3A_129, %get3A_112] : memref<8x1024xf32, #tpu.memory_space<vmem>>[vector<16xi32>, vector<16xi32>], vector<16xf32>,
      %broadcast_in_dim3A_131 = arith.constant 6 : i32
      %broadcast_in_dim3A_132 = vector.broadcast %broadcast_in_dim3A_131 : i32 to vector<16xi32>
      %gather3A_133 = tpu.vector_load_idx %arg7[%broadcast_in_dim3A_132, %get3A_112] : memref<8x1024xf32, #tpu.memory_space<vmem>>[vector<16xi32>, vector<16xi32>], vector<16xf32>,
      %broadcast_in_dim3A_134 = arith.constant 7 : i32
      %broadcast_in_dim3A_135 = vector.broadcast %broadcast_in_dim3A_134 : i32 to vector<16xi32>
      %gather3A_136 = tpu.vector_load_idx %arg7[%broadcast_in_dim3A_135, %get3A_112] : memref<8x1024xf32, #tpu.memory_space<vmem>>[vector<16xi32>, vector<16xi32>], vector<16xf32>,
      %swap3A_137 = arith.constant 0 : i32
      %swap3A_138 = arith.index_cast %swap3A_137 : i32 to index
      %swap3A_139 = arith.index_cast %mul3A_110 : i32 to index
      %swap3A_140 = tpu.vector_load %arg8[%swap3A_138, %swap3A_139] {strides = array<i32>} : memref<8x1024xf32, #tpu.memory_space<vmem>>, vector<16xf32>,
      tpu.vector_store %arg8[%swap3A_138, %swap3A_139], %gather3A_115 {strides = array<i32>} : memref<8x1024xf32, #tpu.memory_space<vmem>>, vector<16xf32>,
      %swap3A_141 = arith.constant 1 : i32
      %swap3A_142 = arith.index_cast %swap3A_141 : i32 to index
      %swap3A_143 = arith.index_cast %mul3A_110 : i32 to index
      %swap3A_144 = tpu.vector_load %arg8[%swap3A_142, %swap3A_143] {strides = array<i32>} : memref<8x1024xf32, #tpu.memory_space<vmem>>, vector<16xf32>,
      tpu.vector_store %arg8[%swap3A_142, %swap3A_143], %gather3A_118 {strides = array<i32>} : memref<8x1024xf32, #tpu.memory_space<vmem>>, vector<16xf32>,
      %swap3A_145 = arith.constant 2 : i32
      %swap3A_146 = arith.index_cast %swap3A_145 : i32 to index
      %swap3A_147 = arith.index_cast %mul3A_110 : i32 to index
      %swap3A_148 = tpu.vector_load %arg8[%swap3A_146, %swap3A_147] {strides = array<i32>} : memref<8x1024xf32, #tpu.memory_space<vmem>>, vector<16xf32>,
      tpu.vector_store %arg8[%swap3A_146, %swap3A_147], %gather3A_121 {strides = array<i32>} : memref<8x1024xf32, #tpu.memory_space<vmem>>, vector<16xf32>,
      %swap3A_149 = arith.constant 3 : i32
      %swap3A_150 = arith.index_cast %swap3A_149 : i32 to index
      %swap3A_151 = arith.index_cast %mul3A_110 : i32 to index
      %swap3A_152 = tpu.vector_load %arg8[%swap3A_150, %swap3A_151] {strides = array<i32>} : memref<8x1024xf32, #tpu.memory_space<vmem>>, vector<16xf32>,
      tpu.vector_store %arg8[%swap3A_150, %swap3A_151], %gather3A_124 {strides = array<i32>} : memref<8x1024xf32, #tpu.memory_space<vmem>>, vector<16xf32>,
      %swap3A_153 = arith.constant 4 : i32
      %swap3A_154 = arith.index_cast %swap3A_153 : i32 to index
      %swap3A_155 = arith.index_cast %mul3A_110 : i32 to index
      %swap3A_156 = tpu.vector_load %arg8[%swap3A_154, %swap3A_155] {strides = array<i32>} : memref<8x1024xf32, #tpu.memory_space<vmem>>, vector<16xf32>,
      tpu.vector_store %arg8[%swap3A_154, %swap3A_155], %gather3A_127 {strides = array<i32>} : memref<8x1024xf32, #tpu.memory_space<vmem>>, vector<16xf32>,
      %swap3A_157 = arith.constant 5 : i32
      %swap3A_158 = arith.index_cast %swap3A_157 : i32 to index
      %swap3A_159 = arith.index_cast %mul3A_110 : i32 to index
      %swap3A_160 = tpu.vector_load %arg8[%swap3A_158, %swap3A_159] {strides = array<i32>} : memref<8x1024xf32, #tpu.memory_space<vmem>>, vector<16xf32>,
      tpu.vector_store %arg8[%swap3A_158, %swap3A_159], %gather3A_130 {strides = array<i32>} : memref<8x1024xf32, #tpu.memory_space<vmem>>, vector<16xf32>,
      %swap3A_161 = arith.constant 6 : i32
      %swap3A_162 = arith.index_cast %swap3A_161 : i32 to index
      %swap3A_163 = arith.index_cast %mul3A_110 : i32 to index
      %swap3A_164 = tpu.vector_load %arg8[%swap3A_162, %swap3A_163] {strides = array<i32>} : memref<8x1024xf32, #tpu.memory_space<vmem>>, vector<16xf32>,
      tpu.vector_store %arg8[%swap3A_162, %swap3A_163], %gather3A_133 {strides = array<i32>} : memref<8x1024xf32, #tpu.memory_space<vmem>>, vector<16xf32>,
      %swap3A_165 = arith.constant 7 : i32
      %swap3A_166 = arith.index_cast %swap3A_165 : i32 to index
      %swap3A_167 = arith.index_cast %mul3A_110 : i32 to index
      %swap3A_168 = tpu.vector_load %arg8[%swap3A_166, %swap3A_167] {strides = array<i32>} : memref<8x1024xf32, #tpu.memory_space<vmem>>, vector<16xf32>,
      tpu.vector_store %arg8[%swap3A_166, %swap3A_167], %gather3A_136 {strides = array<i32>} : memref<8x1024xf32, #tpu.memory_space<vmem>>, vector<16xf32>,
      %mul3A_169 = arith.constant 4 : i32
      %mul3A_170 = arith.muli %scan3A_44, %mul3A_169 : i32
      %add3A_171 = arith.constant 2 : i32
      %add3A_172 = arith.addi %mul3A_170, %add3A_171 : i32
      %mul3A_173 = arith.constant 16 : i32
      %mul3A_174 = arith.muli %add3A_172, %mul3A_173 : i32
      %get3A_175 = arith.index_cast %mul3A_174 : i32 to index
      %get3A_176 = tpu.vector_load %arg6[%get3A_175] {strides = array<i32>} : memref<1024xi32, #tpu.memory_space<vmem>>, vector<16xi32>,
      %broadcast_in_dim3A_177 = arith.constant 0 : i32
      %broadcast_in_dim3A_178 = vector.broadcast %broadcast_in_dim3A_177 : i32 to vector<16xi32>
      %gather3A_179 = tpu.vector_load_idx %arg7[%broadcast_in_dim3A_178, %get3A_176] : memref<8x1024xf32, #tpu.memory_space<vmem>>[vector<16xi32>, vector<16xi32>], vector<16xf32>,
      %broadcast_in_dim3A_180 = arith.constant 1 : i32
      %broadcast_in_dim3A_181 = vector.broadcast %broadcast_in_dim3A_180 : i32 to vector<16xi32>
      %gather3A_182 = tpu.vector_load_idx %arg7[%broadcast_in_dim3A_181, %get3A_176] : memref<8x1024xf32, #tpu.memory_space<vmem>>[vector<16xi32>, vector<16xi32>], vector<16xf32>,
      %broadcast_in_dim3A_183 = arith.constant 2 : i32
      %broadcast_in_dim3A_184 = vector.broadcast %broadcast_in_dim3A_183 : i32 to vector<16xi32>
      %gather3A_185 = tpu.vector_load_idx %arg7[%broadcast_in_dim3A_184, %get3A_176] : memref<8x1024xf32, #tpu.memory_space<vmem>>[vector<16xi32>, vector<16xi32>], vector<16xf32>,
      %broadcast_in_dim3A_186 = arith.constant 3 : i32
      %broadcast_in_dim3A_187 = vector.broadcast %broadcast_in_dim3A_186 : i32 to vector<16xi32>
      %gather3A_188 = tpu.vector_load_idx %arg7[%broadcast_in_dim3A_187, %get3A_176] : memref<8x1024xf32, #tpu.memory_space<vmem>>[vector<16xi32>, vector<16xi32>], vector<16xf32>,
      %broadcast_in_dim3A_189 = arith.constant 4 : i32
      %broadcast_in_dim3A_190 = vector.broadcast %broadcast_in_dim3A_189 : i32 to vector<16xi32>
      %gather3A_191 = tpu.vector_load_idx %arg7[%broadcast_in_dim3A_190, %get3A_176] : memref<8x1024xf32, #tpu.memory_space<vmem>>[vector<16xi32>, vector<16xi32>], vector<16xf32>,
      %broadcast_in_dim3A_192 = arith.constant 5 : i32
      %broadcast_in_dim3A_193 = vector.broadcast %broadcast_in_dim3A_192 : i32 to vector<16xi32>
      %gather3A_194 = tpu.vector_load_idx %arg7[%broadcast_in_dim3A_193, %get3A_176] : memref<8x1024xf32, #tpu.memory_space<vmem>>[vector<16xi32>, vector<16xi32>], vector<16xf32>,
      %broadcast_in_dim3A_195 = arith.constant 6 : i32
      %broadcast_in_dim3A_196 = vector.broadcast %broadcast_in_dim3A_195 : i32 to vector<16xi32>
      %gather3A_197 = tpu.vector_load_idx %arg7[%broadcast_in_dim3A_196, %get3A_176] : memref<8x1024xf32, #tpu.memory_space<vmem>>[vector<16xi32>, vector<16xi32>], vector<16xf32>,
      %broadcast_in_dim3A_198 = arith.constant 7 : i32
      %broadcast_in_dim3A_199 = vector.broadcast %broadcast_in_dim3A_198 : i32 to vector<16xi32>
      %gather3A_200 = tpu.vector_load_idx %arg7[%broadcast_in_dim3A_199, %get3A_176] : memref<8x1024xf32, #tpu.memory_space<vmem>>[vector<16xi32>, vector<16xi32>], vector<16xf32>,
      %swap3A_201 = arith.constant 0 : i32
      %swap3A_202 = arith.index_cast %swap3A_201 : i32 to index
      %swap3A_203 = arith.index_cast %mul3A_174 : i32 to index
      %swap3A_204 = tpu.vector_load %arg8[%swap3A_202, %swap3A_203] {strides = array<i32>} : memref<8x1024xf32, #tpu.memory_space<vmem>>, vector<16xf32>,
      tpu.vector_store %arg8[%swap3A_202, %swap3A_203], %gather3A_179 {strides = array<i32>} : memref<8x1024xf32, #tpu.memory_space<vmem>>, vector<16xf32>,
      %swap3A_205 = arith.constant 1 : i32
      %swap3A_206 = arith.index_cast %swap3A_205 : i32 to index
      %swap3A_207 = arith.index_cast %mul3A_174 : i32 to index
      %swap3A_208 = tpu.vector_load %arg8[%swap3A_206, %swap3A_207] {strides = array<i32>} : memref<8x1024xf32, #tpu.memory_space<vmem>>, vector<16xf32>,
      tpu.vector_store %arg8[%swap3A_206, %swap3A_207], %gather3A_182 {strides = array<i32>} : memref<8x1024xf32, #tpu.memory_space<vmem>>, vector<16xf32>,
      %swap3A_209 = arith.constant 2 : i32
      %swap3A_210 = arith.index_cast %swap3A_209 : i32 to index
      %swap3A_211 = arith.index_cast %mul3A_174 : i32 to index
      %swap3A_212 = tpu.vector_load %arg8[%swap3A_210, %swap3A_211] {strides = array<i32>} : memref<8x1024xf32, #tpu.memory_space<vmem>>, vector<16xf32>,
      tpu.vector_store %arg8[%swap3A_210, %swap3A_211], %gather3A_185 {strides = array<i32>} : memref<8x1024xf32, #tpu.memory_space<vmem>>, vector<16xf32>,
      %swap3A_213 = arith.constant 3 : i32
      %swap3A_214 = arith.index_cast %swap3A_213 : i32 to index
      %swap3A_215 = arith.index_cast %mul3A_174 : i32 to index
      %swap3A_216 = tpu.vector_load %arg8[%swap3A_214, %swap3A_215] {strides = array<i32>} : memref<8x1024xf32, #tpu.memory_space<vmem>>, vector<16xf32>,
      tpu.vector_store %arg8[%swap3A_214, %swap3A_215], %gather3A_188 {strides = array<i32>} : memref<8x1024xf32, #tpu.memory_space<vmem>>, vector<16xf32>,
      %swap3A_217 = arith.constant 4 : i32
      %swap3A_218 = arith.index_cast %swap3A_217 : i32 to index
      %swap3A_219 = arith.index_cast %mul3A_174 : i32 to index
      %swap3A_220 = tpu.vector_load %arg8[%swap3A_218, %swap3A_219] {strides = array<i32>} : memref<8x1024xf32, #tpu.memory_space<vmem>>, vector<16xf32>,
      tpu.vector_store %arg8[%swap3A_218, %swap3A_219], %gather3A_191 {strides = array<i32>} : memref<8x1024xf32, #tpu.memory_space<vmem>>, vector<16xf32>,
      %swap3A_221 = arith.constant 5 : i32
      %swap3A_222 = arith.index_cast %swap3A_221 : i32 to index
      %swap3A_223 = arith.index_cast %mul3A_174 : i32 to index
      %swap3A_224 = tpu.vector_load %arg8[%swap3A_222, %swap3A_223] {strides = array<i32>} : memref<8x1024xf32, #tpu.memory_space<vmem>>, vector<16xf32>,
      tpu.vector_store %arg8[%swap3A_222, %swap3A_223], %gather3A_194 {strides = array<i32>} : memref<8x1024xf32, #tpu.memory_space<vmem>>, vector<16xf32>,
      %swap3A_225 = arith.constant 6 : i32
      %swap3A_226 = arith.index_cast %swap3A_225 : i32 to index
      %swap3A_227 = arith.index_cast %mul3A_174 : i32 to index
      %swap3A_228 = tpu.vector_load %arg8[%swap3A_226, %swap3A_227] {strides = array<i32>} : memref<8x1024xf32, #tpu.memory_space<vmem>>, vector<16xf32>,
      tpu.vector_store %arg8[%swap3A_226, %swap3A_227], %gather3A_197 {strides = array<i32>} : memref<8x1024xf32, #tpu.memory_space<vmem>>, vector<16xf32>,
      %swap3A_229 = arith.constant 7 : i32
      %swap3A_230 = arith.index_cast %swap3A_229 : i32 to index
      %swap3A_231 = arith.index_cast %mul3A_174 : i32 to index
      %swap3A_232 = tpu.vector_load %arg8[%swap3A_230, %swap3A_231] {strides = array<i32>} : memref<8x1024xf32, #tpu.memory_space<vmem>>, vector<16xf32>,
      tpu.vector_store %arg8[%swap3A_230, %swap3A_231], %gather3A_200 {strides = array<i32>} : memref<8x1024xf32, #tpu.memory_space<vmem>>, vector<16xf32>,
      %mul3A_233 = arith.constant 4 : i32
      %mul3A_234 = arith.muli %scan3A_44, %mul3A_233 : i32
      %add3A_235 = arith.constant 3 : i32
      %add3A_236 = arith.addi %mul3A_234, %add3A_235 : i32
      %mul3A_237 = arith.constant 16 : i32
      %mul3A_238 = arith.muli %add3A_236, %mul3A_237 : i32
      %get3A_239 = arith.index_cast %mul3A_238 : i32 to index
      %get3A_240 = tpu.vector_load %arg6[%get3A_239] {strides = array<i32>} : memref<1024xi32, #tpu.memory_space<vmem>>, vector<16xi32>,
      %broadcast_in_dim3A_241 = arith.constant 0 : i32
      %broadcast_in_dim3A_242 = vector.broadcast %broadcast_in_dim3A_241 : i32 to vector<16xi32>
      %gather3A_243 = tpu.vector_load_idx %arg7[%broadcast_in_dim3A_242, %get3A_240] : memref<8x1024xf32, #tpu.memory_space<vmem>>[vector<16xi32>, vector<16xi32>], vector<16xf32>,
      %broadcast_in_dim3A_244 = arith.constant 1 : i32
      %broadcast_in_dim3A_245 = vector.broadcast %broadcast_in_dim3A_244 : i32 to vector<16xi32>
      %gather3A_246 = tpu.vector_load_idx %arg7[%broadcast_in_dim3A_245, %get3A_240] : memref<8x1024xf32, #tpu.memory_space<vmem>>[vector<16xi32>, vector<16xi32>], vector<16xf32>,
      %broadcast_in_dim3A_247 = arith.constant 2 : i32
      %broadcast_in_dim3A_248 = vector.broadcast %broadcast_in_dim3A_247 : i32 to vector<16xi32>
      %gather3A_249 = tpu.vector_load_idx %arg7[%broadcast_in_dim3A_248, %get3A_240] : memref<8x1024xf32, #tpu.memory_space<vmem>>[vector<16xi32>, vector<16xi32>], vector<16xf32>,
      %broadcast_in_dim3A_250 = arith.constant 3 : i32
      %broadcast_in_dim3A_251 = vector.broadcast %broadcast_in_dim3A_250 : i32 to vector<16xi32>
      %gather3A_252 = tpu.vector_load_idx %arg7[%broadcast_in_dim3A_251, %get3A_240] : memref<8x1024xf32, #tpu.memory_space<vmem>>[vector<16xi32>, vector<16xi32>], vector<16xf32>,
      %broadcast_in_dim3A_253 = arith.constant 4 : i32
      %broadcast_in_dim3A_254 = vector.broadcast %broadcast_in_dim3A_253 : i32 to vector<16xi32>
      %gather3A_255 = tpu.vector_load_idx %arg7[%broadcast_in_dim3A_254, %get3A_240] : memref<8x1024xf32, #tpu.memory_space<vmem>>[vector<16xi32>, vector<16xi32>], vector<16xf32>,
      %broadcast_in_dim3A_256 = arith.constant 5 : i32
      %broadcast_in_dim3A_257 = vector.broadcast %broadcast_in_dim3A_256 : i32 to vector<16xi32>
      %gather3A_258 = tpu.vector_load_idx %arg7[%broadcast_in_dim3A_257, %get3A_240] : memref<8x1024xf32, #tpu.memory_space<vmem>>[vector<16xi32>, vector<16xi32>], vector<16xf32>,
      %broadcast_in_dim3A_259 = arith.constant 6 : i32
      %broadcast_in_dim3A_260 = vector.broadcast %broadcast_in_dim3A_259 : i32 to vector<16xi32>
      %gather3A_261 = tpu.vector_load_idx %arg7[%broadcast_in_dim3A_260, %get3A_240] : memref<8x1024xf32, #tpu.memory_space<vmem>>[vector<16xi32>, vector<16xi32>], vector<16xf32>,
      %broadcast_in_dim3A_262 = arith.constant 7 : i32
      %broadcast_in_dim3A_263 = vector.broadcast %broadcast_in_dim3A_262 : i32 to vector<16xi32>
      %gather3A_264 = tpu.vector_load_idx %arg7[%broadcast_in_dim3A_263, %get3A_240] : memref<8x1024xf32, #tpu.memory_space<vmem>>[vector<16xi32>, vector<16xi32>], vector<16xf32>,
      %swap3A_265 = arith.constant 0 : i32
      %swap3A_266 = arith.index_cast %swap3A_265 : i32 to index
      %swap3A_267 = arith.index_cast %mul3A_238 : i32 to index
      %swap3A_268 = tpu.vector_load %arg8[%swap3A_266, %swap3A_267] {strides = array<i32>} : memref<8x1024xf32, #tpu.memory_space<vmem>>, vector<16xf32>,
      tpu.vector_store %arg8[%swap3A_266, %swap3A_267], %gather3A_243 {strides = array<i32>} : memref<8x1024xf32, #tpu.memory_space<vmem>>, vector<16xf32>,
      %swap3A_269 = arith.constant 1 : i32
      %swap3A_270 = arith.index_cast %swap3A_269 : i32 to index
      %swap3A_271 = arith.index_cast %mul3A_238 : i32 to index
      %swap3A_272 = tpu.vector_load %arg8[%swap3A_270, %swap3A_271] {strides = array<i32>} : memref<8x1024xf32, #tpu.memory_space<vmem>>, vector<16xf32>,
      tpu.vector_store %arg8[%swap3A_270, %swap3A_271], %gather3A_246 {strides = array<i32>} : memref<8x1024xf32, #tpu.memory_space<vmem>>, vector<16xf32>,
      %swap3A_273 = arith.constant 2 : i32
      %swap3A_274 = arith.index_cast %swap3A_273 : i32 to index
      %swap3A_275 = arith.index_cast %mul3A_238 : i32 to index
      %swap3A_276 = tpu.vector_load %arg8[%swap3A_274, %swap3A_275] {strides = array<i32>} : memref<8x1024xf32, #tpu.memory_space<vmem>>, vector<16xf32>,
      tpu.vector_store %arg8[%swap3A_274, %swap3A_275], %gather3A_249 {strides = array<i32>} : memref<8x1024xf32, #tpu.memory_space<vmem>>, vector<16xf32>,
      %swap3A_277 = arith.constant 3 : i32
      %swap3A_278 = arith.index_cast %swap3A_277 : i32 to index
      %swap3A_279 = arith.index_cast %mul3A_238 : i32 to index
      %swap3A_280 = tpu.vector_load %arg8[%swap3A_278, %swap3A_279] {strides = array<i32>} : memref<8x1024xf32, #tpu.memory_space<vmem>>, vector<16xf32>,
      tpu.vector_store %arg8[%swap3A_278, %swap3A_279], %gather3A_252 {strides = array<i32>} : memref<8x1024xf32, #tpu.memory_space<vmem>>, vector<16xf32>,
      %swap3A_281 = arith.constant 4 : i32
      %swap3A_282 = arith.index_cast %swap3A_281 : i32 to index
      %swap3A_283 = arith.index_cast %mul3A_238 : i32 to index
      %swap3A_284 = tpu.vector_load %arg8[%swap3A_282, %swap3A_283] {strides = array<i32>} : memref<8x1024xf32, #tpu.memory_space<vmem>>, vector<16xf32>,
      tpu.vector_store %arg8[%swap3A_282, %swap3A_283], %gather3A_255 {strides = array<i32>} : memref<8x1024xf32, #tpu.memory_space<vmem>>, vector<16xf32>,
      %swap3A_285 = arith.constant 5 : i32
      %swap3A_286 = arith.index_cast %swap3A_285 : i32 to index
      %swap3A_287 = arith.index_cast %mul3A_238 : i32 to index
      %swap3A_288 = tpu.vector_load %arg8[%swap3A_286, %swap3A_287] {strides = array<i32>} : memref<8x1024xf32, #tpu.memory_space<vmem>>, vector<16xf32>,
      tpu.vector_store %arg8[%swap3A_286, %swap3A_287], %gather3A_258 {strides = array<i32>} : memref<8x1024xf32, #tpu.memory_space<vmem>>, vector<16xf32>,
      %swap3A_289 = arith.constant 6 : i32
      %swap3A_290 = arith.index_cast %swap3A_289 : i32 to index
      %swap3A_291 = arith.index_cast %mul3A_238 : i32 to index
      %swap3A_292 = tpu.vector_load %arg8[%swap3A_290, %swap3A_291] {strides = array<i32>} : memref<8x1024xf32, #tpu.memory_space<vmem>>, vector<16xf32>,
      tpu.vector_store %arg8[%swap3A_290, %swap3A_291], %gather3A_261 {strides = array<i32>} : memref<8x1024xf32, #tpu.memory_space<vmem>>, vector<16xf32>,
      %swap3A_293 = arith.constant 7 : i32
      %swap3A_294 = arith.index_cast %swap3A_293 : i32 to index
      %swap3A_295 = arith.index_cast %mul3A_238 : i32 to index
      %swap3A_296 = tpu.vector_load %arg8[%swap3A_294, %swap3A_295] {strides = array<i32>} : memref<8x1024xf32, #tpu.memory_space<vmem>>, vector<16xf32>,
      tpu.vector_store %arg8[%swap3A_294, %swap3A_295], %gather3A_264 {strides = array<i32>} : memref<8x1024xf32, #tpu.memory_space<vmem>>, vector<16xf32>,
    }
    %scan3A_39 = arith.constant 16 : i32
    %mul3A_40 = arith.constant 8 : i32
    %mul3A_41 = arith.muli %select_n3A_30, %mul3A_40 : i32
    "tpu.region"() ({
      %run_scoped3A = tpu.sem_alloc : memref<!tpu.dma_semaphore, #tpu.memory_space<semaphore_mem>>
      %dma_start3A = arith.constant 0 : i32
      %dma_start3A_44 = tpu.memref_slice %arg4[%select_n3A, %mul3A_41, %dma_start3A] : memref<8x32x1024xf32, #tpu.memory_space<hbm>> -> memref<1x8x1024xf32, #tpu.memory_space<hbm>>
      %dma_start3A_45 = tpu.memref_squeeze %dma_start3A_44 : memref<1x8x1024xf32, #tpu.memory_space<hbm>> -> memref<8x1024xf32, #tpu.memory_space<hbm>>
      %dma_start3A_46 = arith.constant 0 : i32
      %dma_start3A_47 = tpu.memref_slice %arg4[%select_n3A, %mul3A_41, %dma_start3A_46] : memref<8x32x1024xf32, #tpu.memory_space<hbm>> -> memref<1x8x1024xf32, #tpu.memory_space<hbm>>
      %dma_start3A_48 = tpu.memref_squeeze %dma_start3A_47 : memref<1x8x1024xf32, #tpu.memory_space<hbm>> -> memref<8x1024xf32, #tpu.memory_space<hbm>>
      tpu.enqueue_dma source(%arg8 : memref<8x1024xf32, #tpu.memory_space<vmem>>) target(%dma_start3A_48 : memref<8x1024xf32, #tpu.memory_space<hbm>>) target_semaphore(%run_scoped3A : memref<!tpu.dma_semaphore, #tpu.memory_space<semaphore_mem>>)
      %dma_wait3A = arith.constant 0 : i32
      %dma_wait3A_49 = tpu.memref_slice %arg4[%select_n3A, %mul3A_41, %dma_wait3A] : memref<8x32x1024xf32, #tpu.memory_space<hbm>> -> memref<1x8x1024xf32, #tpu.memory_space<hbm>>
      %dma_wait3A_50 = tpu.memref_squeeze %dma_wait3A_49 : memref<1x8x1024xf32, #tpu.memory_space<hbm>> -> memref<8x1024xf32, #tpu.memory_space<hbm>>
      %dma_wait3A_51 = arith.constant 0 : i32
      %dma_wait3A_52 = tpu.memref_slice %arg4[%select_n3A, %mul3A_41, %dma_wait3A_51] : memref<8x32x1024xf32, #tpu.memory_space<hbm>> -> memref<1x8x1024xf32, #tpu.memory_space<hbm>>
      %dma_wait3A_53 = tpu.memref_squeeze %dma_wait3A_52 : memref<1x8x1024xf32, #tpu.memory_space<hbm>> -> memref<8x1024xf32, #tpu.memory_space<hbm>>
      tpu.wait_dma2 semaphore(%run_scoped3A : memref<!tpu.dma_semaphore, #tpu.memory_space<semaphore_mem>>) src(%arg8 : memref<8x1024xf32, #tpu.memory_space<vmem>>) dst(%dma_wait3A_53 : memref<8x1024xf32, #tpu.memory_space<hbm>>)
      tpu.yield
    }) : () -> ()
    %mul3A_42 = arith.constant 8 : i32
    %mul3A_43 = arith.muli %select_n3A_30, %mul3A_42 : i32
    "tpu.region"() ({
      %run_scoped3A = tpu.sem_alloc : memref<!tpu.dma_semaphore, #tpu.memory_space<semaphore_mem>>
      %dma_start3A = arith.constant 0 : i32
      %dma_start3A_44 = tpu.memref_slice %arg5[%select_n3A, %mul3A_43, %dma_start3A] : memref<8x32x1024xf32, #tpu.memory_space<hbm>> -> memref<1x8x1024xf32, #tpu.memory_space<hbm>>
      %dma_start3A_45 = tpu.memref_squeeze %dma_start3A_44 : memref<1x8x1024xf32, #tpu.memory_space<hbm>> -> memref<8x1024xf32, #tpu.memory_space<hbm>>
      %dma_start3A_46 = arith.constant 0 : i32
      %dma_start3A_47 = tpu.memref_slice %arg5[%select_n3A, %mul3A_43, %dma_start3A_46] : memref<8x32x1024xf32, #tpu.memory_space<hbm>> -> memref<1x8x1024xf32, #tpu.memory_space<hbm>>
      %dma_start3A_48 = tpu.memref_squeeze %dma_start3A_47 : memref<1x8x1024xf32, #tpu.memory_space<hbm>> -> memref<8x1024xf32, #tpu.memory_space<hbm>>
      tpu.enqueue_dma source(%arg8 : memref<8x1024xf32, #tpu.memory_space<vmem>>) target(%dma_start3A_48 : memref<8x1024xf32, #tpu.memory_space<hbm>>) target_semaphore(%run_scoped3A : memref<!tpu.dma_semaphore, #tpu.memory_space<semaphore_mem>>)
      %dma_wait3A = arith.constant 0 : i32
      %dma_wait3A_49 = tpu.memref_slice %arg5[%select_n3A, %mul3A_43, %dma_wait3A] : memref<8x32x1024xf32, #tpu.memory_space<hbm>> -> memref<1x8x1024xf32, #tpu.memory_space<hbm>>
      %dma_wait3A_50 = tpu.memref_squeeze %dma_wait3A_49 : memref<1x8x1024xf32, #tpu.memory_space<hbm>> -> memref<8x1024xf32, #tpu.memory_space<hbm>>
      %dma_wait3A_51 = arith.constant 0 : i32
      %dma_wait3A_52 = tpu.memref_slice %arg5[%select_n3A, %mul3A_43, %dma_wait3A_51] : memref<8x32x1024xf32, #tpu.memory_space<hbm>> -> memref<1x8x1024xf32, #tpu.memory_space<hbm>>
      %dma_wait3A_53 = tpu.memref_squeeze %dma_wait3A_52 : memref<1x8x1024xf32, #tpu.memory_space<hbm>> -> memref<8x1024xf32, #tpu.memory_space<hbm>>
      tpu.wait_dma2 semaphore(%run_scoped3A : memref<!tpu.dma_semaphore, #tpu.memory_space<semaphore_mem>>) src(%arg8 : memref<8x1024xf32, #tpu.memory_space<vmem>>) dst(%dma_wait3A_53 : memref<8x1024xf32, #tpu.memory_space<hbm>>)
      tpu.yield
    }) : () -> ()
    return
  }
}

#map = affine_map<(d0, d1) -> (0)>
#map1 = affine_map<(d0, d1) -> (0, 0)>
#map2 = affine_map<(d0, d1) -> (0, 0, 0)>
module attributes {stable_mosaic.version = 14 : i64} {
  func.func @_sc_gather_body(%arg0: i32, %arg1: i32, %arg2: memref<8192xi32, #tpu.memory_space<hbm>>, %arg3: memref<32x1024xf32, #tpu.memory_space<hbm>>, %arg4: memref<8x32x1024xf32, #tpu.memory_space<hbm>>, %arg5: memref<8x32x1024xf32, #tpu.memory_space<hbm>>, %arg6: memref<1024xi32, #tpu.memory_space<vmem>>, %arg7: memref<8x1024xf32, #tpu.memory_space<vmem>>, %arg8: memref<8x1024xf32, #tpu.memory_space<vmem>>) attributes {dimension_semantics = [#tpu.dimension_semantics<core_parallel>, #tpu.dimension_semantics<subcore_parallel>], iteration_bounds = array<i64: 2, 16>, scalar_prefetch = 0 : i64, scratch_operands = 3 : i64, tpu.core_type = #tpu.core_type<sc_vector_subcore>, window_params = [{transform_indices = #map}, {transform_indices = #map1}, {transform_indices = #map2}, {transform_indices = #map2}]} {
    %mul3A = arith.constant 2 : i32
    %mul3A_0 = arith.muli %arg1, %mul3A : i32
    %add3A = arith.addi %mul3A_0, %arg0 : i32
    %jit3A = arith.constant 4 : i32
    %div3A = arith.divsi %add3A, %jit3A : i32
    %sign3A = arith.constant 0 : i32
    %sign3A_1 = arith.cmpi sgt, %add3A, %sign3A : i32
    %sign3A_2 = arith.extui %sign3A_1 : i1 to i32
    %sign3A_3 = arith.constant 0 : i32
    %sign3A_4 = arith.cmpi slt, %add3A, %sign3A_3 : i32
    %sign3A_5 = arith.extui %sign3A_4 : i1 to i32
    %sign3A_6 = arith.subi %sign3A_2, %sign3A_5 : i32
    %sign3A_7 = arith.constant 0 : i32
    %sign3A_8 = arith.cmpi sgt, %jit3A, %sign3A_7 : i32
    %sign3A_9 = arith.extui %sign3A_8 : i1 to i32
    %sign3A_10 = arith.constant 0 : i32
    %sign3A_11 = arith.cmpi slt, %jit3A, %sign3A_10 : i32
    %sign3A_12 = arith.extui %sign3A_11 : i1 to i32
    %sign3A_13 = arith.subi %sign3A_9, %sign3A_12 : i32
    %ne3A = arith.cmpi ne, %sign3A_6, %sign3A_13 : i32
    %rem3A = arith.remsi %add3A, %jit3A : i32
    %ne3A_14 = arith.constant 0 : i32
    %ne3A_15 = arith.cmpi ne, %rem3A, %ne3A_14 : i32
    %and3A = arith.andi %ne3A, %ne3A_15 : i1
    %sub3A = arith.constant 1 : i32
    %sub3A_16 = arith.subi %div3A, %sub3A : i32
    %select_n3A = arith.select %and3A, %sub3A_16, %div3A : i32
    %jit3A_17 = arith.constant 4 : i32
    %eq3A = arith.constant 0 : i32
    %eq3A_18 = arith.cmpi eq, %jit3A_17, %eq3A : i32
    %jit3A_19 = arith.constant 1 : i32
    %select_n3A_20 = arith.select %eq3A_18, %jit3A_19, %jit3A_17 : i32
    %rem3A_21 = arith.remsi %add3A, %select_n3A_20 : i32
    %ne3A_22 = arith.constant 0 : i32
    %ne3A_23 = arith.cmpi ne, %rem3A_21, %ne3A_22 : i32
    %lt3A = arith.constant 0 : i32
    %lt3A_24 = arith.cmpi slt, %rem3A_21, %lt3A : i32
    %lt3A_25 = arith.constant 0 : i32
    %lt3A_26 = arith.cmpi slt, %select_n3A_20, %lt3A_25 : i32
    %ne3A_27 = arith.xori %lt3A_24, %lt3A_26 : i1
    %and3A_28 = arith.andi %ne3A_27, %ne3A_23 : i1
    %add3A_29 = arith.addi %rem3A_21, %select_n3A_20 : i32
    %select_n3A_30 = arith.select %and3A_28, %add3A_29, %rem3A_21 : i32
    %mul3A_31 = arith.constant 1024 : i32
    %mul3A_32 = arith.muli %select_n3A, %mul3A_31 : i32
    "tpu.region"() ({
      %run_scoped3A = tpu.sem_alloc : memref<!tpu.dma_semaphore, #tpu.memory_space<semaphore_mem>>
      %dma_start3A = tpu.memref_slice %arg2[%mul3A_32] : memref<8192xi32, #tpu.memory_space<hbm>> -> memref<1024xi32, #tpu.memory_space<hbm>>
      %dma_start3A_44 = tpu.memref_slice %arg2[%mul3A_32] : memref<8192xi32, #tpu.memory_space<hbm>> -> memref<1024xi32, #tpu.memory_space<hbm>>
      tpu.enqueue_dma source(%dma_start3A_44 : memref<1024xi32, #tpu.memory_space<hbm>>) target(%arg6 : memref<1024xi32, #tpu.memory_space<vmem>>) target_semaphore(%run_scoped3A : memref<!tpu.dma_semaphore, #tpu.memory_space<semaphore_mem>>)
      %dma_wait3A = tpu.memref_slice %arg2[%mul3A_32] : memref<8192xi32, #tpu.memory_space<hbm>> -> memref<1024xi32, #tpu.memory_space<hbm>>
      %dma_wait3A_45 = tpu.memref_slice %arg2[%mul3A_32] : memref<8192xi32, #tpu.memory_space<hbm>> -> memref<1024xi32, #tpu.memory_space<hbm>>
      tpu.wait_dma2 semaphore(%run_scoped3A : memref<!tpu.dma_semaphore, #tpu.memory_space<semaphore_mem>>) src(%dma_wait3A_45 : memref<1024xi32, #tpu.memory_space<hbm>>) dst(%arg6 : memref<1024xi32, #tpu.memory_space<vmem>>)
      tpu.yield
    }) : () -> ()
    %mul3A_33 = arith.constant 8 : i32
    %mul3A_34 = arith.muli %select_n3A_30, %mul3A_33 : i32
    "tpu.region"() ({
      %run_scoped3A = tpu.sem_alloc : memref<!tpu.dma_semaphore, #tpu.memory_space<semaphore_mem>>
      %dma_start3A = arith.constant 0 : i32
      %dma_start3A_44 = tpu.memref_slice %arg3[%mul3A_34, %dma_start3A] : memref<32x1024xf32, #tpu.memory_space<hbm>> -> memref<8x1024xf32, #tpu.memory_space<hbm>>
      %dma_start3A_45 = arith.constant 0 : i32
      %dma_start3A_46 = tpu.memref_slice %arg3[%mul3A_34, %dma_start3A_45] : memref<32x1024xf32, #tpu.memory_space<hbm>> -> memref<8x1024xf32, #tpu.memory_space<hbm>>
      tpu.enqueue_dma source(%dma_start3A_46 : memref<8x1024xf32, #tpu.memory_space<hbm>>) target(%arg7 : memref<8x1024xf32, #tpu.memory_space<vmem>>) target_semaphore(%run_scoped3A : memref<!tpu.dma_semaphore, #tpu.memory_space<semaphore_mem>>)
      %dma_wait3A = arith.constant 0 : i32
      %dma_wait3A_47 = tpu.memref_slice %arg3[%mul3A_34, %dma_wait3A] : memref<32x1024xf32, #tpu.memory_space<hbm>> -> memref<8x1024xf32, #tpu.memory_space<hbm>>
      %dma_wait3A_48 = arith.constant 0 : i32
      %dma_wait3A_49 = tpu.memref_slice %arg3[%mul3A_34, %dma_wait3A_48] : memref<32x1024xf32, #tpu.memory_space<hbm>> -> memref<8x1024xf32, #tpu.memory_space<hbm>>
      tpu.wait_dma2 semaphore(%run_scoped3A : memref<!tpu.dma_semaphore, #tpu.memory_space<semaphore_mem>>) src(%dma_wait3A_49 : memref<8x1024xf32, #tpu.memory_space<hbm>>) dst(%arg7 : memref<8x1024xf32, #tpu.memory_space<vmem>>)
      tpu.yield
    }) : () -> ()
    %scan3A = arith.constant 0 : i32
    %scan3A_35 = arith.constant 0 : i32
    %scan3A_36 = arith.constant 16 : i32
    %scan3A_37 = arith.addi %scan3A_35, %scan3A_36 : i32
    %scan3A_38 = arith.constant 1 : i32
    scf.for %scan3A_44 = %scan3A_35 to %scan3A_37 step %scan3A_38  : i32 {
      %mul3A_45 = arith.constant 4 : i32
      %mul3A_46 = arith.muli %scan3A_44, %mul3A_45 : i32
      %add3A_47 = arith.constant 0 : i32
      %add3A_48 = arith.addi %mul3A_46, %add3A_47 : i32
      %mul3A_49 = arith.constant 16 : i32
      %mul3A_50 = arith.muli %add3A_48, %mul3A_49 : i32
      %get3A = arith.index_cast %mul3A_50 : i32 to index
      %get3A_51 = tpu.vector_load %arg6[%get3A] {strides = array<i32>} : memref<1024xi32, #tpu.memory_space<vmem>>, vector<16xi32>,
      %broadcast_in_dim3A = arith.constant 0 : i32
      %broadcast_in_dim3A_52 = vector.broadcast %broadcast_in_dim3A : i32 to vector<16xi32>
      %gather3A = tpu.vector_load_idx %arg7[%broadcast_in_dim3A_52, %get3A_51] : memref<8x1024xf32, #tpu.memory_space<vmem>>[vector<16xi32>, vector<16xi32>], vector<16xf32>,
      %broadcast_in_dim3A_53 = arith.constant 1 : i32
      %broadcast_in_dim3A_54 = vector.broadcast %broadcast_in_dim3A_53 : i32 to vector<16xi32>
      %gather3A_55 = tpu.vector_load_idx %arg7[%broadcast_in_dim3A_54, %get3A_51] : memref<8x1024xf32, #tpu.memory_space<vmem>>[vector<16xi32>, vector<16xi32>], vector<16xf32>,
      %broadcast_in_dim3A_56 = arith.constant 2 : i32
      %broadcast_in_dim3A_57 = vector.broadcast %broadcast_in_dim3A_56 : i32 to vector<16xi32>
      %gather3A_58 = tpu.vector_load_idx %arg7[%broadcast_in_dim3A_57, %get3A_51] : memref<8x1024xf32, #tpu.memory_space<vmem>>[vector<16xi32>, vector<16xi32>], vector<16xf32>,
      %broadcast_in_dim3A_59 = arith.constant 3 : i32
      %broadcast_in_dim3A_60 = vector.broadcast %broadcast_in_dim3A_59 : i32 to vector<16xi32>
      %gather3A_61 = tpu.vector_load_idx %arg7[%broadcast_in_dim3A_60, %get3A_51] : memref<8x1024xf32, #tpu.memory_space<vmem>>[vector<16xi32>, vector<16xi32>], vector<16xf32>,
      %broadcast_in_dim3A_62 = arith.constant 4 : i32
      %broadcast_in_dim3A_63 = vector.broadcast %broadcast_in_dim3A_62 : i32 to vector<16xi32>
      %gather3A_64 = tpu.vector_load_idx %arg7[%broadcast_in_dim3A_63, %get3A_51] : memref<8x1024xf32, #tpu.memory_space<vmem>>[vector<16xi32>, vector<16xi32>], vector<16xf32>,
      %broadcast_in_dim3A_65 = arith.constant 5 : i32
      %broadcast_in_dim3A_66 = vector.broadcast %broadcast_in_dim3A_65 : i32 to vector<16xi32>
      %gather3A_67 = tpu.vector_load_idx %arg7[%broadcast_in_dim3A_66, %get3A_51] : memref<8x1024xf32, #tpu.memory_space<vmem>>[vector<16xi32>, vector<16xi32>], vector<16xf32>,
      %broadcast_in_dim3A_68 = arith.constant 6 : i32
      %broadcast_in_dim3A_69 = vector.broadcast %broadcast_in_dim3A_68 : i32 to vector<16xi32>
      %gather3A_70 = tpu.vector_load_idx %arg7[%broadcast_in_dim3A_69, %get3A_51] : memref<8x1024xf32, #tpu.memory_space<vmem>>[vector<16xi32>, vector<16xi32>], vector<16xf32>,
      %broadcast_in_dim3A_71 = arith.constant 7 : i32
      %broadcast_in_dim3A_72 = vector.broadcast %broadcast_in_dim3A_71 : i32 to vector<16xi32>
      %gather3A_73 = tpu.vector_load_idx %arg7[%broadcast_in_dim3A_72, %get3A_51] : memref<8x1024xf32, #tpu.memory_space<vmem>>[vector<16xi32>, vector<16xi32>], vector<16xf32>,
      %swap3A = arith.constant 0 : i32
      %swap3A_74 = arith.index_cast %swap3A : i32 to index
      %swap3A_75 = arith.index_cast %mul3A_50 : i32 to index
      %swap3A_76 = tpu.vector_load %arg8[%swap3A_74, %swap3A_75] {strides = array<i32>} : memref<8x1024xf32, #tpu.memory_space<vmem>>, vector<16xf32>,
      tpu.vector_store %arg8[%swap3A_74, %swap3A_75], %gather3A {strides = array<i32>} : memref<8x1024xf32, #tpu.memory_space<vmem>>, vector<16xf32>,
      %swap3A_77 = arith.constant 1 : i32
      %swap3A_78 = arith.index_cast %swap3A_77 : i32 to index
      %swap3A_79 = arith.index_cast %mul3A_50 : i32 to index
      %swap3A_80 = tpu.vector_load %arg8[%swap3A_78, %swap3A_79] {strides = array<i32>} : memref<8x1024xf32, #tpu.memory_space<vmem>>, vector<16xf32>,
      tpu.vector_store %arg8[%swap3A_78, %swap3A_79], %gather3A_55 {strides = array<i32>} : memref<8x1024xf32, #tpu.memory_space<vmem>>, vector<16xf32>,
      %swap3A_81 = arith.constant 2 : i32
      %swap3A_82 = arith.index_cast %swap3A_81 : i32 to index
      %swap3A_83 = arith.index_cast %mul3A_50 : i32 to index
      %swap3A_84 = tpu.vector_load %arg8[%swap3A_82, %swap3A_83] {strides = array<i32>} : memref<8x1024xf32, #tpu.memory_space<vmem>>, vector<16xf32>,
      tpu.vector_store %arg8[%swap3A_82, %swap3A_83], %gather3A_58 {strides = array<i32>} : memref<8x1024xf32, #tpu.memory_space<vmem>>, vector<16xf32>,
      %swap3A_85 = arith.constant 3 : i32
      %swap3A_86 = arith.index_cast %swap3A_85 : i32 to index
      %swap3A_87 = arith.index_cast %mul3A_50 : i32 to index
      %swap3A_88 = tpu.vector_load %arg8[%swap3A_86, %swap3A_87] {strides = array<i32>} : memref<8x1024xf32, #tpu.memory_space<vmem>>, vector<16xf32>,
      tpu.vector_store %arg8[%swap3A_86, %swap3A_87], %gather3A_61 {strides = array<i32>} : memref<8x1024xf32, #tpu.memory_space<vmem>>, vector<16xf32>,
      %swap3A_89 = arith.constant 4 : i32
      %swap3A_90 = arith.index_cast %swap3A_89 : i32 to index
      %swap3A_91 = arith.index_cast %mul3A_50 : i32 to index
      %swap3A_92 = tpu.vector_load %arg8[%swap3A_90, %swap3A_91] {strides = array<i32>} : memref<8x1024xf32, #tpu.memory_space<vmem>>, vector<16xf32>,
      tpu.vector_store %arg8[%swap3A_90, %swap3A_91], %gather3A_64 {strides = array<i32>} : memref<8x1024xf32, #tpu.memory_space<vmem>>, vector<16xf32>,
      %swap3A_93 = arith.constant 5 : i32
      %swap3A_94 = arith.index_cast %swap3A_93 : i32 to index
      %swap3A_95 = arith.index_cast %mul3A_50 : i32 to index
      %swap3A_96 = tpu.vector_load %arg8[%swap3A_94, %swap3A_95] {strides = array<i32>} : memref<8x1024xf32, #tpu.memory_space<vmem>>, vector<16xf32>,
      tpu.vector_store %arg8[%swap3A_94, %swap3A_95], %gather3A_67 {strides = array<i32>} : memref<8x1024xf32, #tpu.memory_space<vmem>>, vector<16xf32>,
      %swap3A_97 = arith.constant 6 : i32
      %swap3A_98 = arith.index_cast %swap3A_97 : i32 to index
      %swap3A_99 = arith.index_cast %mul3A_50 : i32 to index
      %swap3A_100 = tpu.vector_load %arg8[%swap3A_98, %swap3A_99] {strides = array<i32>} : memref<8x1024xf32, #tpu.memory_space<vmem>>, vector<16xf32>,
      tpu.vector_store %arg8[%swap3A_98, %swap3A_99], %gather3A_70 {strides = array<i32>} : memref<8x1024xf32, #tpu.memory_space<vmem>>, vector<16xf32>,
      %swap3A_101 = arith.constant 7 : i32
      %swap3A_102 = arith.index_cast %swap3A_101 : i32 to index
      %swap3A_103 = arith.index_cast %mul3A_50 : i32 to index
      %swap3A_104 = tpu.vector_load %arg8[%swap3A_102, %swap3A_103] {strides = array<i32>} : memref<8x1024xf32, #tpu.memory_space<vmem>>, vector<16xf32>,
      tpu.vector_store %arg8[%swap3A_102, %swap3A_103], %gather3A_73 {strides = array<i32>} : memref<8x1024xf32, #tpu.memory_space<vmem>>, vector<16xf32>,
      %mul3A_105 = arith.constant 4 : i32
      %mul3A_106 = arith.muli %scan3A_44, %mul3A_105 : i32
      %add3A_107 = arith.constant 1 : i32
      %add3A_108 = arith.addi %mul3A_106, %add3A_107 : i32
      %mul3A_109 = arith.constant 16 : i32
      %mul3A_110 = arith.muli %add3A_108, %mul3A_109 : i32
      %get3A_111 = arith.index_cast %mul3A_110 : i32 to index
      %get3A_112 = tpu.vector_load %arg6[%get3A_111] {strides = array<i32>} : memref<1024xi32, #tpu.memory_space<vmem>>, vector<16xi32>,
      %broadcast_in_dim3A_113 = arith.constant 0 : i32
      %broadcast_in_dim3A_114 = vector.broadcast %broadcast_in_dim3A_113 : i32 to vector<16xi32>
      %gather3A_115 = tpu.vector_load_idx %arg7[%broadcast_in_dim3A_114, %get3A_112] : memref<8x1024xf32, #tpu.memory_space<vmem>>[vector<16xi32>, vector<16xi32>], vector<16xf32>,
      %broadcast_in_dim3A_116 = arith.constant 1 : i32
      %broadcast_in_dim3A_117 = vector.broadcast %broadcast_in_dim3A_116 : i32 to vector<16xi32>
      %gather3A_118 = tpu.vector_load_idx %arg7[%broadcast_in_dim3A_117, %get3A_112] : memref<8x1024xf32, #tpu.memory_space<vmem>>[vector<16xi32>, vector<16xi32>], vector<16xf32>,
      %broadcast_in_dim3A_119 = arith.constant 2 : i32
      %broadcast_in_dim3A_120 = vector.broadcast %broadcast_in_dim3A_119 : i32 to vector<16xi32>
      %gather3A_121 = tpu.vector_load_idx %arg7[%broadcast_in_dim3A_120, %get3A_112] : memref<8x1024xf32, #tpu.memory_space<vmem>>[vector<16xi32>, vector<16xi32>], vector<16xf32>,
      %broadcast_in_dim3A_122 = arith.constant 3 : i32
      %broadcast_in_dim3A_123 = vector.broadcast %broadcast_in_dim3A_122 : i32 to vector<16xi32>
      %gather3A_124 = tpu.vector_load_idx %arg7[%broadcast_in_dim3A_123, %get3A_112] : memref<8x1024xf32, #tpu.memory_space<vmem>>[vector<16xi32>, vector<16xi32>], vector<16xf32>,
      %broadcast_in_dim3A_125 = arith.constant 4 : i32
      %broadcast_in_dim3A_126 = vector.broadcast %broadcast_in_dim3A_125 : i32 to vector<16xi32>
      %gather3A_127 = tpu.vector_load_idx %arg7[%broadcast_in_dim3A_126, %get3A_112] : memref<8x1024xf32, #tpu.memory_space<vmem>>[vector<16xi32>, vector<16xi32>], vector<16xf32>,
      %broadcast_in_dim3A_128 = arith.constant 5 : i32
      %broadcast_in_dim3A_129 = vector.broadcast %broadcast_in_dim3A_128 : i32 to vector<16xi32>
      %gather3A_130 = tpu.vector_load_idx %arg7[%broadcast_in_dim3A_129, %get3A_112] : memref<8x1024xf32, #tpu.memory_space<vmem>>[vector<16xi32>, vector<16xi32>], vector<16xf32>,
      %broadcast_in_dim3A_131 = arith.constant 6 : i32
      %broadcast_in_dim3A_132 = vector.broadcast %broadcast_in_dim3A_131 : i32 to vector<16xi32>
      %gather3A_133 = tpu.vector_load_idx %arg7[%broadcast_in_dim3A_132, %get3A_112] : memref<8x1024xf32, #tpu.memory_space<vmem>>[vector<16xi32>, vector<16xi32>], vector<16xf32>,
      %broadcast_in_dim3A_134 = arith.constant 7 : i32
      %broadcast_in_dim3A_135 = vector.broadcast %broadcast_in_dim3A_134 : i32 to vector<16xi32>
      %gather3A_136 = tpu.vector_load_idx %arg7[%broadcast_in_dim3A_135, %get3A_112] : memref<8x1024xf32, #tpu.memory_space<vmem>>[vector<16xi32>, vector<16xi32>], vector<16xf32>,
      %swap3A_137 = arith.constant 0 : i32
      %swap3A_138 = arith.index_cast %swap3A_137 : i32 to index
      %swap3A_139 = arith.index_cast %mul3A_110 : i32 to index
      %swap3A_140 = tpu.vector_load %arg8[%swap3A_138, %swap3A_139] {strides = array<i32>} : memref<8x1024xf32, #tpu.memory_space<vmem>>, vector<16xf32>,
      tpu.vector_store %arg8[%swap3A_138, %swap3A_139], %gather3A_115 {strides = array<i32>} : memref<8x1024xf32, #tpu.memory_space<vmem>>, vector<16xf32>,
      %swap3A_141 = arith.constant 1 : i32
      %swap3A_142 = arith.index_cast %swap3A_141 : i32 to index
      %swap3A_143 = arith.index_cast %mul3A_110 : i32 to index
      %swap3A_144 = tpu.vector_load %arg8[%swap3A_142, %swap3A_143] {strides = array<i32>} : memref<8x1024xf32, #tpu.memory_space<vmem>>, vector<16xf32>,
      tpu.vector_store %arg8[%swap3A_142, %swap3A_143], %gather3A_118 {strides = array<i32>} : memref<8x1024xf32, #tpu.memory_space<vmem>>, vector<16xf32>,
      %swap3A_145 = arith.constant 2 : i32
      %swap3A_146 = arith.index_cast %swap3A_145 : i32 to index
      %swap3A_147 = arith.index_cast %mul3A_110 : i32 to index
      %swap3A_148 = tpu.vector_load %arg8[%swap3A_146, %swap3A_147] {strides = array<i32>} : memref<8x1024xf32, #tpu.memory_space<vmem>>, vector<16xf32>,
      tpu.vector_store %arg8[%swap3A_146, %swap3A_147], %gather3A_121 {strides = array<i32>} : memref<8x1024xf32, #tpu.memory_space<vmem>>, vector<16xf32>,
      %swap3A_149 = arith.constant 3 : i32
      %swap3A_150 = arith.index_cast %swap3A_149 : i32 to index
      %swap3A_151 = arith.index_cast %mul3A_110 : i32 to index
      %swap3A_152 = tpu.vector_load %arg8[%swap3A_150, %swap3A_151] {strides = array<i32>} : memref<8x1024xf32, #tpu.memory_space<vmem>>, vector<16xf32>,
      tpu.vector_store %arg8[%swap3A_150, %swap3A_151], %gather3A_124 {strides = array<i32>} : memref<8x1024xf32, #tpu.memory_space<vmem>>, vector<16xf32>,
      %swap3A_153 = arith.constant 4 : i32
      %swap3A_154 = arith.index_cast %swap3A_153 : i32 to index
      %swap3A_155 = arith.index_cast %mul3A_110 : i32 to index
      %swap3A_156 = tpu.vector_load %arg8[%swap3A_154, %swap3A_155] {strides = array<i32>} : memref<8x1024xf32, #tpu.memory_space<vmem>>, vector<16xf32>,
      tpu.vector_store %arg8[%swap3A_154, %swap3A_155], %gather3A_127 {strides = array<i32>} : memref<8x1024xf32, #tpu.memory_space<vmem>>, vector<16xf32>,
      %swap3A_157 = arith.constant 5 : i32
      %swap3A_158 = arith.index_cast %swap3A_157 : i32 to index
      %swap3A_159 = arith.index_cast %mul3A_110 : i32 to index
      %swap3A_160 = tpu.vector_load %arg8[%swap3A_158, %swap3A_159] {strides = array<i32>} : memref<8x1024xf32, #tpu.memory_space<vmem>>, vector<16xf32>,
      tpu.vector_store %arg8[%swap3A_158, %swap3A_159], %gather3A_130 {strides = array<i32>} : memref<8x1024xf32, #tpu.memory_space<vmem>>, vector<16xf32>,
      %swap3A_161 = arith.constant 6 : i32
      %swap3A_162 = arith.index_cast %swap3A_161 : i32 to index
      %swap3A_163 = arith.index_cast %mul3A_110 : i32 to index
      %swap3A_164 = tpu.vector_load %arg8[%swap3A_162, %swap3A_163] {strides = array<i32>} : memref<8x1024xf32, #tpu.memory_space<vmem>>, vector<16xf32>,
      tpu.vector_store %arg8[%swap3A_162, %swap3A_163], %gather3A_133 {strides = array<i32>} : memref<8x1024xf32, #tpu.memory_space<vmem>>, vector<16xf32>,
      %swap3A_165 = arith.constant 7 : i32
      %swap3A_166 = arith.index_cast %swap3A_165 : i32 to index
      %swap3A_167 = arith.index_cast %mul3A_110 : i32 to index
      %swap3A_168 = tpu.vector_load %arg8[%swap3A_166, %swap3A_167] {strides = array<i32>} : memref<8x1024xf32, #tpu.memory_space<vmem>>, vector<16xf32>,
      tpu.vector_store %arg8[%swap3A_166, %swap3A_167], %gather3A_136 {strides = array<i32>} : memref<8x1024xf32, #tpu.memory_space<vmem>>, vector<16xf32>,
      %mul3A_169 = arith.constant 4 : i32
      %mul3A_170 = arith.muli %scan3A_44, %mul3A_169 : i32
      %add3A_171 = arith.constant 2 : i32
      %add3A_172 = arith.addi %mul3A_170, %add3A_171 : i32
      %mul3A_173 = arith.constant 16 : i32
      %mul3A_174 = arith.muli %add3A_172, %mul3A_173 : i32
      %get3A_175 = arith.index_cast %mul3A_174 : i32 to index
      %get3A_176 = tpu.vector_load %arg6[%get3A_175] {strides = array<i32>} : memref<1024xi32, #tpu.memory_space<vmem>>, vector<16xi32>,
      %broadcast_in_dim3A_177 = arith.constant 0 : i32
      %broadcast_in_dim3A_178 = vector.broadcast %broadcast_in_dim3A_177 : i32 to vector<16xi32>
      %gather3A_179 = tpu.vector_load_idx %arg7[%broadcast_in_dim3A_178, %get3A_176] : memref<8x1024xf32, #tpu.memory_space<vmem>>[vector<16xi32>, vector<16xi32>], vector<16xf32>,
      %broadcast_in_dim3A_180 = arith.constant 1 : i32
      %broadcast_in_dim3A_181 = vector.broadcast %broadcast_in_dim3A_180 : i32 to vector<16xi32>
      %gather3A_182 = tpu.vector_load_idx %arg7[%broadcast_in_dim3A_181, %get3A_176] : memref<8x1024xf32, #tpu.memory_space<vmem>>[vector<16xi32>, vector<16xi32>], vector<16xf32>,
      %broadcast_in_dim3A_183 = arith.constant 2 : i32
      %broadcast_in_dim3A_184 = vector.broadcast %broadcast_in_dim3A_183 : i32 to vector<16xi32>
      %gather3A_185 = tpu.vector_load_idx %arg7[%broadcast_in_dim3A_184, %get3A_176] : memref<8x1024xf32, #tpu.memory_space<vmem>>[vector<16xi32>, vector<16xi32>], vector<16xf32>,
      %broadcast_in_dim3A_186 = arith.constant 3 : i32
      %broadcast_in_dim3A_187 = vector.broadcast %broadcast_in_dim3A_186 : i32 to vector<16xi32>
      %gather3A_188 = tpu.vector_load_idx %arg7[%broadcast_in_dim3A_187, %get3A_176] : memref<8x1024xf32, #tpu.memory_space<vmem>>[vector<16xi32>, vector<16xi32>], vector<16xf32>,
      %broadcast_in_dim3A_189 = arith.constant 4 : i32
      %broadcast_in_dim3A_190 = vector.broadcast %broadcast_in_dim3A_189 : i32 to vector<16xi32>
      %gather3A_191 = tpu.vector_load_idx %arg7[%broadcast_in_dim3A_190, %get3A_176] : memref<8x1024xf32, #tpu.memory_space<vmem>>[vector<16xi32>, vector<16xi32>], vector<16xf32>,
      %broadcast_in_dim3A_192 = arith.constant 5 : i32
      %broadcast_in_dim3A_193 = vector.broadcast %broadcast_in_dim3A_192 : i32 to vector<16xi32>
      %gather3A_194 = tpu.vector_load_idx %arg7[%broadcast_in_dim3A_193, %get3A_176] : memref<8x1024xf32, #tpu.memory_space<vmem>>[vector<16xi32>, vector<16xi32>], vector<16xf32>,
      %broadcast_in_dim3A_195 = arith.constant 6 : i32
      %broadcast_in_dim3A_196 = vector.broadcast %broadcast_in_dim3A_195 : i32 to vector<16xi32>
      %gather3A_197 = tpu.vector_load_idx %arg7[%broadcast_in_dim3A_196, %get3A_176] : memref<8x1024xf32, #tpu.memory_space<vmem>>[vector<16xi32>, vector<16xi32>], vector<16xf32>,
      %broadcast_in_dim3A_198 = arith.constant 7 : i32
      %broadcast_in_dim3A_199 = vector.broadcast %broadcast_in_dim3A_198 : i32 to vector<16xi32>
      %gather3A_200 = tpu.vector_load_idx %arg7[%broadcast_in_dim3A_199, %get3A_176] : memref<8x1024xf32, #tpu.memory_space<vmem>>[vector<16xi32>, vector<16xi32>], vector<16xf32>,
      %swap3A_201 = arith.constant 0 : i32
      %swap3A_202 = arith.index_cast %swap3A_201 : i32 to index
      %swap3A_203 = arith.index_cast %mul3A_174 : i32 to index
      %swap3A_204 = tpu.vector_load %arg8[%swap3A_202, %swap3A_203] {strides = array<i32>} : memref<8x1024xf32, #tpu.memory_space<vmem>>, vector<16xf32>,
      tpu.vector_store %arg8[%swap3A_202, %swap3A_203], %gather3A_179 {strides = array<i32>} : memref<8x1024xf32, #tpu.memory_space<vmem>>, vector<16xf32>,
      %swap3A_205 = arith.constant 1 : i32
      %swap3A_206 = arith.index_cast %swap3A_205 : i32 to index
      %swap3A_207 = arith.index_cast %mul3A_174 : i32 to index
      %swap3A_208 = tpu.vector_load %arg8[%swap3A_206, %swap3A_207] {strides = array<i32>} : memref<8x1024xf32, #tpu.memory_space<vmem>>, vector<16xf32>,
      tpu.vector_store %arg8[%swap3A_206, %swap3A_207], %gather3A_182 {strides = array<i32>} : memref<8x1024xf32, #tpu.memory_space<vmem>>, vector<16xf32>,
      %swap3A_209 = arith.constant 2 : i32
      %swap3A_210 = arith.index_cast %swap3A_209 : i32 to index
      %swap3A_211 = arith.index_cast %mul3A_174 : i32 to index
      %swap3A_212 = tpu.vector_load %arg8[%swap3A_210, %swap3A_211] {strides = array<i32>} : memref<8x1024xf32, #tpu.memory_space<vmem>>, vector<16xf32>,
      tpu.vector_store %arg8[%swap3A_210, %swap3A_211], %gather3A_185 {strides = array<i32>} : memref<8x1024xf32, #tpu.memory_space<vmem>>, vector<16xf32>,
      %swap3A_213 = arith.constant 3 : i32
      %swap3A_214 = arith.index_cast %swap3A_213 : i32 to index
      %swap3A_215 = arith.index_cast %mul3A_174 : i32 to index
      %swap3A_216 = tpu.vector_load %arg8[%swap3A_214, %swap3A_215] {strides = array<i32>} : memref<8x1024xf32, #tpu.memory_space<vmem>>, vector<16xf32>,
      tpu.vector_store %arg8[%swap3A_214, %swap3A_215], %gather3A_188 {strides = array<i32>} : memref<8x1024xf32, #tpu.memory_space<vmem>>, vector<16xf32>,
      %swap3A_217 = arith.constant 4 : i32
      %swap3A_218 = arith.index_cast %swap3A_217 : i32 to index
      %swap3A_219 = arith.index_cast %mul3A_174 : i32 to index
      %swap3A_220 = tpu.vector_load %arg8[%swap3A_218, %swap3A_219] {strides = array<i32>} : memref<8x1024xf32, #tpu.memory_space<vmem>>, vector<16xf32>,
      tpu.vector_store %arg8[%swap3A_218, %swap3A_219], %gather3A_191 {strides = array<i32>} : memref<8x1024xf32, #tpu.memory_space<vmem>>, vector<16xf32>,
      %swap3A_221 = arith.constant 5 : i32
      %swap3A_222 = arith.index_cast %swap3A_221 : i32 to index
      %swap3A_223 = arith.index_cast %mul3A_174 : i32 to index
      %swap3A_224 = tpu.vector_load %arg8[%swap3A_222, %swap3A_223] {strides = array<i32>} : memref<8x1024xf32, #tpu.memory_space<vmem>>, vector<16xf32>,
      tpu.vector_store %arg8[%swap3A_222, %swap3A_223], %gather3A_194 {strides = array<i32>} : memref<8x1024xf32, #tpu.memory_space<vmem>>, vector<16xf32>,
      %swap3A_225 = arith.constant 6 : i32
      %swap3A_226 = arith.index_cast %swap3A_225 : i32 to index
      %swap3A_227 = arith.index_cast %mul3A_174 : i32 to index
      %swap3A_228 = tpu.vector_load %arg8[%swap3A_226, %swap3A_227] {strides = array<i32>} : memref<8x1024xf32, #tpu.memory_space<vmem>>, vector<16xf32>,
      tpu.vector_store %arg8[%swap3A_226, %swap3A_227], %gather3A_197 {strides = array<i32>} : memref<8x1024xf32, #tpu.memory_space<vmem>>, vector<16xf32>,
      %swap3A_229 = arith.constant 7 : i32
      %swap3A_230 = arith.index_cast %swap3A_229 : i32 to index
      %swap3A_231 = arith.index_cast %mul3A_174 : i32 to index
      %swap3A_232 = tpu.vector_load %arg8[%swap3A_230, %swap3A_231] {strides = array<i32>} : memref<8x1024xf32, #tpu.memory_space<vmem>>, vector<16xf32>,
      tpu.vector_store %arg8[%swap3A_230, %swap3A_231], %gather3A_200 {strides = array<i32>} : memref<8x1024xf32, #tpu.memory_space<vmem>>, vector<16xf32>,
      %mul3A_233 = arith.constant 4 : i32
      %mul3A_234 = arith.muli %scan3A_44, %mul3A_233 : i32
      %add3A_235 = arith.constant 3 : i32
      %add3A_236 = arith.addi %mul3A_234, %add3A_235 : i32
      %mul3A_237 = arith.constant 16 : i32
      %mul3A_238 = arith.muli %add3A_236, %mul3A_237 : i32
      %get3A_239 = arith.index_cast %mul3A_238 : i32 to index
      %get3A_240 = tpu.vector_load %arg6[%get3A_239] {strides = array<i32>} : memref<1024xi32, #tpu.memory_space<vmem>>, vector<16xi32>,
      %broadcast_in_dim3A_241 = arith.constant 0 : i32
      %broadcast_in_dim3A_242 = vector.broadcast %broadcast_in_dim3A_241 : i32 to vector<16xi32>
      %gather3A_243 = tpu.vector_load_idx %arg7[%broadcast_in_dim3A_242, %get3A_240] : memref<8x1024xf32, #tpu.memory_space<vmem>>[vector<16xi32>, vector<16xi32>], vector<16xf32>,
      %broadcast_in_dim3A_244 = arith.constant 1 : i32
      %broadcast_in_dim3A_245 = vector.broadcast %broadcast_in_dim3A_244 : i32 to vector<16xi32>
      %gather3A_246 = tpu.vector_load_idx %arg7[%broadcast_in_dim3A_245, %get3A_240] : memref<8x1024xf32, #tpu.memory_space<vmem>>[vector<16xi32>, vector<16xi32>], vector<16xf32>,
      %broadcast_in_dim3A_247 = arith.constant 2 : i32
      %broadcast_in_dim3A_248 = vector.broadcast %broadcast_in_dim3A_247 : i32 to vector<16xi32>
      %gather3A_249 = tpu.vector_load_idx %arg7[%broadcast_in_dim3A_248, %get3A_240] : memref<8x1024xf32, #tpu.memory_space<vmem>>[vector<16xi32>, vector<16xi32>], vector<16xf32>,
      %broadcast_in_dim3A_250 = arith.constant 3 : i32
      %broadcast_in_dim3A_251 = vector.broadcast %broadcast_in_dim3A_250 : i32 to vector<16xi32>
      %gather3A_252 = tpu.vector_load_idx %arg7[%broadcast_in_dim3A_251, %get3A_240] : memref<8x1024xf32, #tpu.memory_space<vmem>>[vector<16xi32>, vector<16xi32>], vector<16xf32>,
      %broadcast_in_dim3A_253 = arith.constant 4 : i32
      %broadcast_in_dim3A_254 = vector.broadcast %broadcast_in_dim3A_253 : i32 to vector<16xi32>
      %gather3A_255 = tpu.vector_load_idx %arg7[%broadcast_in_dim3A_254, %get3A_240] : memref<8x1024xf32, #tpu.memory_space<vmem>>[vector<16xi32>, vector<16xi32>], vector<16xf32>,
      %broadcast_in_dim3A_256 = arith.constant 5 : i32
      %broadcast_in_dim3A_257 = vector.broadcast %broadcast_in_dim3A_256 : i32 to vector<16xi32>
      %gather3A_258 = tpu.vector_load_idx %arg7[%broadcast_in_dim3A_257, %get3A_240] : memref<8x1024xf32, #tpu.memory_space<vmem>>[vector<16xi32>, vector<16xi32>], vector<16xf32>,
      %broadcast_in_dim3A_259 = arith.constant 6 : i32
      %broadcast_in_dim3A_260 = vector.broadcast %broadcast_in_dim3A_259 : i32 to vector<16xi32>
      %gather3A_261 = tpu.vector_load_idx %arg7[%broadcast_in_dim3A_260, %get3A_240] : memref<8x1024xf32, #tpu.memory_space<vmem>>[vector<16xi32>, vector<16xi32>], vector<16xf32>,
      %broadcast_in_dim3A_262 = arith.constant 7 : i32
      %broadcast_in_dim3A_263 = vector.broadcast %broadcast_in_dim3A_262 : i32 to vector<16xi32>
      %gather3A_264 = tpu.vector_load_idx %arg7[%broadcast_in_dim3A_263, %get3A_240] : memref<8x1024xf32, #tpu.memory_space<vmem>>[vector<16xi32>, vector<16xi32>], vector<16xf32>,
      %swap3A_265 = arith.constant 0 : i32
      %swap3A_266 = arith.index_cast %swap3A_265 : i32 to index
      %swap3A_267 = arith.index_cast %mul3A_238 : i32 to index
      %swap3A_268 = tpu.vector_load %arg8[%swap3A_266, %swap3A_267] {strides = array<i32>} : memref<8x1024xf32, #tpu.memory_space<vmem>>, vector<16xf32>,
      tpu.vector_store %arg8[%swap3A_266, %swap3A_267], %gather3A_243 {strides = array<i32>} : memref<8x1024xf32, #tpu.memory_space<vmem>>, vector<16xf32>,
      %swap3A_269 = arith.constant 1 : i32
      %swap3A_270 = arith.index_cast %swap3A_269 : i32 to index
      %swap3A_271 = arith.index_cast %mul3A_238 : i32 to index
      %swap3A_272 = tpu.vector_load %arg8[%swap3A_270, %swap3A_271] {strides = array<i32>} : memref<8x1024xf32, #tpu.memory_space<vmem>>, vector<16xf32>,
      tpu.vector_store %arg8[%swap3A_270, %swap3A_271], %gather3A_246 {strides = array<i32>} : memref<8x1024xf32, #tpu.memory_space<vmem>>, vector<16xf32>,
      %swap3A_273 = arith.constant 2 : i32
      %swap3A_274 = arith.index_cast %swap3A_273 : i32 to index
      %swap3A_275 = arith.index_cast %mul3A_238 : i32 to index
      %swap3A_276 = tpu.vector_load %arg8[%swap3A_274, %swap3A_275] {strides = array<i32>} : memref<8x1024xf32, #tpu.memory_space<vmem>>, vector<16xf32>,
      tpu.vector_store %arg8[%swap3A_274, %swap3A_275], %gather3A_249 {strides = array<i32>} : memref<8x1024xf32, #tpu.memory_space<vmem>>, vector<16xf32>,
      %swap3A_277 = arith.constant 3 : i32
      %swap3A_278 = arith.index_cast %swap3A_277 : i32 to index
      %swap3A_279 = arith.index_cast %mul3A_238 : i32 to index
      %swap3A_280 = tpu.vector_load %arg8[%swap3A_278, %swap3A_279] {strides = array<i32>} : memref<8x1024xf32, #tpu.memory_space<vmem>>, vector<16xf32>,
      tpu.vector_store %arg8[%swap3A_278, %swap3A_279], %gather3A_252 {strides = array<i32>} : memref<8x1024xf32, #tpu.memory_space<vmem>>, vector<16xf32>,
      %swap3A_281 = arith.constant 4 : i32
      %swap3A_282 = arith.index_cast %swap3A_281 : i32 to index
      %swap3A_283 = arith.index_cast %mul3A_238 : i32 to index
      %swap3A_284 = tpu.vector_load %arg8[%swap3A_282, %swap3A_283] {strides = array<i32>} : memref<8x1024xf32, #tpu.memory_space<vmem>>, vector<16xf32>,
      tpu.vector_store %arg8[%swap3A_282, %swap3A_283], %gather3A_255 {strides = array<i32>} : memref<8x1024xf32, #tpu.memory_space<vmem>>, vector<16xf32>,
      %swap3A_285 = arith.constant 5 : i32
      %swap3A_286 = arith.index_cast %swap3A_285 : i32 to index
      %swap3A_287 = arith.index_cast %mul3A_238 : i32 to index
      %swap3A_288 = tpu.vector_load %arg8[%swap3A_286, %swap3A_287] {strides = array<i32>} : memref<8x1024xf32, #tpu.memory_space<vmem>>, vector<16xf32>,
      tpu.vector_store %arg8[%swap3A_286, %swap3A_287], %gather3A_258 {strides = array<i32>} : memref<8x1024xf32, #tpu.memory_space<vmem>>, vector<16xf32>,
      %swap3A_289 = arith.constant 6 : i32
      %swap3A_290 = arith.index_cast %swap3A_289 : i32 to index
      %swap3A_291 = arith.index_cast %mul3A_238 : i32 to index
      %swap3A_292 = tpu.vector_load %arg8[%swap3A_290, %swap3A_291] {strides = array<i32>} : memref<8x1024xf32, #tpu.memory_space<vmem>>, vector<16xf32>,
      tpu.vector_store %arg8[%swap3A_290, %swap3A_291], %gather3A_261 {strides = array<i32>} : memref<8x1024xf32, #tpu.memory_space<vmem>>, vector<16xf32>,
      %swap3A_293 = arith.constant 7 : i32
      %swap3A_294 = arith.index_cast %swap3A_293 : i32 to index
      %swap3A_295 = arith.index_cast %mul3A_238 : i32 to index
      %swap3A_296 = tpu.vector_load %arg8[%swap3A_294, %swap3A_295] {strides = array<i32>} : memref<8x1024xf32, #tpu.memory_space<vmem>>, vector<16xf32>,
      tpu.vector_store %arg8[%swap3A_294, %swap3A_295], %gather3A_264 {strides = array<i32>} : memref<8x1024xf32, #tpu.memory_space<vmem>>, vector<16xf32>,
    }
    %scan3A_39 = arith.constant 16 : i32
    %mul3A_40 = arith.constant 8 : i32
    %mul3A_41 = arith.muli %select_n3A_30, %mul3A_40 : i32
    "tpu.region"() ({
      %run_scoped3A = tpu.sem_alloc : memref<!tpu.dma_semaphore, #tpu.memory_space<semaphore_mem>>
      %dma_start3A = arith.constant 0 : i32
      %dma_start3A_44 = tpu.memref_slice %arg4[%select_n3A, %mul3A_41, %dma_start3A] : memref<8x32x1024xf32, #tpu.memory_space<hbm>> -> memref<1x8x1024xf32, #tpu.memory_space<hbm>>
      %dma_start3A_45 = tpu.memref_squeeze %dma_start3A_44 : memref<1x8x1024xf32, #tpu.memory_space<hbm>> -> memref<8x1024xf32, #tpu.memory_space<hbm>>
      %dma_start3A_46 = arith.constant 0 : i32
      %dma_start3A_47 = tpu.memref_slice %arg4[%select_n3A, %mul3A_41, %dma_start3A_46] : memref<8x32x1024xf32, #tpu.memory_space<hbm>> -> memref<1x8x1024xf32, #tpu.memory_space<hbm>>
      %dma_start3A_48 = tpu.memref_squeeze %dma_start3A_47 : memref<1x8x1024xf32, #tpu.memory_space<hbm>> -> memref<8x1024xf32, #tpu.memory_space<hbm>>
      tpu.enqueue_dma source(%arg8 : memref<8x1024xf32, #tpu.memory_space<vmem>>) target(%dma_start3A_48 : memref<8x1024xf32, #tpu.memory_space<hbm>>) target_semaphore(%run_scoped3A : memref<!tpu.dma_semaphore, #tpu.memory_space<semaphore_mem>>)
      %dma_wait3A = arith.constant 0 : i32
      %dma_wait3A_49 = tpu.memref_slice %arg4[%select_n3A, %mul3A_41, %dma_wait3A] : memref<8x32x1024xf32, #tpu.memory_space<hbm>> -> memref<1x8x1024xf32, #tpu.memory_space<hbm>>
      %dma_wait3A_50 = tpu.memref_squeeze %dma_wait3A_49 : memref<1x8x1024xf32, #tpu.memory_space<hbm>> -> memref<8x1024xf32, #tpu.memory_space<hbm>>
      %dma_wait3A_51 = arith.constant 0 : i32
      %dma_wait3A_52 = tpu.memref_slice %arg4[%select_n3A, %mul3A_41, %dma_wait3A_51] : memref<8x32x1024xf32, #tpu.memory_space<hbm>> -> memref<1x8x1024xf32, #tpu.memory_space<hbm>>
      %dma_wait3A_53 = tpu.memref_squeeze %dma_wait3A_52 : memref<1x8x1024xf32, #tpu.memory_space<hbm>> -> memref<8x1024xf32, #tpu.memory_space<hbm>>
      tpu.wait_dma2 semaphore(%run_scoped3A : memref<!tpu.dma_semaphore, #tpu.memory_space<semaphore_mem>>) src(%arg8 : memref<8x1024xf32, #tpu.memory_space<vmem>>) dst(%dma_wait3A_53 : memref<8x1024xf32, #tpu.memory_space<hbm>>)
      tpu.yield
    }) : () -> ()
    %mul3A_42 = arith.constant 8 : i32
    %mul3A_43 = arith.muli %select_n3A_30, %mul3A_42 : i32
    "tpu.region"() ({
      %run_scoped3A = tpu.sem_alloc : memref<!tpu.dma_semaphore, #tpu.memory_space<semaphore_mem>>
      %dma_start3A = arith.constant 0 : i32
      %dma_start3A_44 = tpu.memref_slice %arg5[%select_n3A, %mul3A_43, %dma_start3A] : memref<8x32x1024xf32, #tpu.memory_space<hbm>> -> memref<1x8x1024xf32, #tpu.memory_space<hbm>>
      %dma_start3A_45 = tpu.memref_squeeze %dma_start3A_44 : memref<1x8x1024xf32, #tpu.memory_space<hbm>> -> memref<8x1024xf32, #tpu.memory_space<hbm>>
      %dma_start3A_46 = arith.constant 0 : i32
      %dma_start3A_47 = tpu.memref_slice %arg5[%select_n3A, %mul3A_43, %dma_start3A_46] : memref<8x32x1024xf32, #tpu.memory_space<hbm>> -> memref<1x8x1024xf32, #tpu.memory_space<hbm>>
      %dma_start3A_48 = tpu.memref_squeeze %dma_start3A_47 : memref<1x8x1024xf32, #tpu.memory_space<hbm>> -> memref<8x1024xf32, #tpu.memory_space<hbm>>
      tpu.enqueue_dma source(%arg8 : memref<8x1024xf32, #tpu.memory_space<vmem>>) target(%dma_start3A_48 : memref<8x1024xf32, #tpu.memory_space<hbm>>) target_semaphore(%run_scoped3A : memref<!tpu.dma_semaphore, #tpu.memory_space<semaphore_mem>>)
      %dma_wait3A = arith.constant 0 : i32
      %dma_wait3A_49 = tpu.memref_slice %arg5[%select_n3A, %mul3A_43, %dma_wait3A] : memref<8x32x1024xf32, #tpu.memory_space<hbm>> -> memref<1x8x1024xf32, #tpu.memory_space<hbm>>
      %dma_wait3A_50 = tpu.memref_squeeze %dma_wait3A_49 : memref<1x8x1024xf32, #tpu.memory_space<hbm>> -> memref<8x1024xf32, #tpu.memory_space<hbm>>
      %dma_wait3A_51 = arith.constant 0 : i32
      %dma_wait3A_52 = tpu.memref_slice %arg5[%select_n3A, %mul3A_43, %dma_wait3A_51] : memref<8x32x1024xf32, #tpu.memory_space<hbm>> -> memref<1x8x1024xf32, #tpu.memory_space<hbm>>
      %dma_wait3A_53 = tpu.memref_squeeze %dma_wait3A_52 : memref<1x8x1024xf32, #tpu.memory_space<hbm>> -> memref<8x1024xf32, #tpu.memory_space<hbm>>
      tpu.wait_dma2 semaphore(%run_scoped3A : memref<!tpu.dma_semaphore, #tpu.memory_space<semaphore_mem>>) src(%arg8 : memref<8x1024xf32, #tpu.memory_space<vmem>>) dst(%dma_wait3A_53 : memref<8x1024xf32, #tpu.memory_space<hbm>>)
      tpu.yield
    }) : () -> ()
    return
  }
}

module attributes {stable_mosaic.version = 14 : i64} {
  func.func @_argmin_body(%arg0: i32, %arg1: memref<4x32x32x32xf32, #tpu.memory_space<vmem>>, %arg2: memref<32x1024xf32, #tpu.memory_space<vmem>>, %arg3: memref<4096xi32, #tpu.memory_space<vmem>>) attributes {dimension_semantics = [#tpu.dimension_semantics<arbitrary>], iteration_bounds = array<i64: 2>, scalar_prefetch = 0 : i64, scratch_operands = 0 : i64, tpu.core_type = #tpu.core_type<tc>, window_params = [{transform_indices = @transform_0, window_bounds = array<i64: 4, 32, 32, 32>}, {pipeline_mode = #tpu.pipeline_mode<synchronous>, transform_indices = @transform_1, window_bounds = array<i64: 32, 1024>}, {transform_indices = @transform_2, window_bounds = array<i64: 4096>}]} {
    %get3A = arith.constant 0 : index
    %get3A_0 = arith.constant 0 : index
    %get3A_1 = vector.load %arg2[%get3A, %get3A_0] : memref<32x1024xf32, #tpu.memory_space<vmem>>, vector<32x1024xf32>
    %broadcast_in_dim3A = arith.constant 1.000000e+00 : f32
    %broadcast_in_dim3A_2 = vector.broadcast %broadcast_in_dim3A : f32 to vector<32x1xf32>
    %mul3A = arith.mulf %get3A_1, %get3A_1 : vector<32x1024xf32>
    %dot_general3A = arith.constant dense<0.000000e+00> : vector<1024x1xf32>
    %dot_general3A_3 = tpu.matmul %mul3A, %broadcast_in_dim3A_2, %dot_general3A {dimension_numbers = #tpu.dot_dimension_numbers<[0], [0], [1], [1], [0, 1, 1, 1], [], []>, precision = #tpu.contract_precision<fp32>, transpose_lhs_hint = false} : vector<32x1024xf32>, vector<32x1xf32>, vector<1024x1xf32> -> vector<1024x1xf32>
    %convert_element_type3A = arith.truncf %get3A_1 : vector<32x1024xf32> to vector<32x1024xbf16>
    %get3A_4 = arith.constant 0 : index
    %get3A_5 = arith.constant 0 : index
    %get3A_6 = arith.constant 0 : index
    %get3A_7 = arith.constant 0 : index
    %get3A_8 = vector.load %arg1[%get3A_4, %get3A_5, %get3A_6, %get3A_7] : memref<4x32x32x32xf32, #tpu.memory_space<vmem>>, vector<1x32x32x32xf32>
    %get3A_9 = vector.shape_cast %get3A_8 : vector<1x32x32x32xf32> to vector<32x32x32xf32>
    %reshape3A = vector.shape_cast %get3A_9 : vector<32x32x32xf32> to vector<32x1024xf32>
    %convert_element_type3A_10 = arith.truncf %reshape3A : vector<32x1024xf32> to vector<32x1024xbf16>
    %dot_general3A_11 = arith.constant dense<0.000000e+00> : vector<1024x1024xf32>
    %dot_general3A_12 = tpu.matmul %convert_element_type3A, %convert_element_type3A_10, %dot_general3A_11 {dimension_numbers = #tpu.dot_dimension_numbers<[0], [0], [1], [1], [0, 1, 1, 1], [], []>, transpose_lhs_hint = false} : vector<32x1024xbf16>, vector<32x1024xbf16>, vector<1024x1024xf32> -> vector<1024x1024xf32>
    %mul3A_13 = arith.mulf %reshape3A, %reshape3A : vector<32x1024xf32>
    %reduce_sum3A = arith.constant dense<0.000000e+00> : vector<1024xf32>
    %reduce_sum3A_14 = vector.multi_reduction <add>, %mul3A_13, %reduce_sum3A [0] : vector<32x1024xf32> to vector<1024xf32>
    %broadcast_in_dim3A_15 = vector.shape_cast %reduce_sum3A_14 : vector<1024xf32> to vector<1x1024xf32>
    %add3A = vector.broadcast %broadcast_in_dim3A_15 : vector<1x1024xf32> to vector<1024x1024xf32>
    %add3A_16 = vector.broadcast %dot_general3A_3 : vector<1024x1xf32> to vector<1024x1024xf32>
    %add3A_17 = arith.addf %add3A, %add3A_16 : vector<1024x1024xf32>
    %mul3A_18 = arith.constant 2.000000e+00 : f32
    %mul3A_19 = vector.broadcast %mul3A_18 : f32 to vector<1024x1024xf32>
    %mul3A_20 = arith.mulf %mul3A_19, %dot_general3A_12 : vector<1024x1024xf32>
    %sub3A = arith.subf %add3A_17, %mul3A_20 : vector<1024x1024xf32>
    %argmin3A = tpu.reduce_index %sub3A {axis = 0 : i32, kind = #tpu.reduction_kind<arg_min>} : vector<1024x1024xf32> -> vector<1024xi32>
    %swap3A = arith.constant 0 : index
    %swap3A_21 = vector.load %arg3[%swap3A] : memref<4096xi32, #tpu.memory_space<vmem>>, vector<1024xi32>
    tpu.vector_store %arg3[%swap3A], %argmin3A {strides = array<i32>} : memref<4096xi32, #tpu.memory_space<vmem>>, vector<1024xi32>,
    %get3A_22 = arith.constant 1 : index
    %get3A_23 = arith.constant 0 : index
    %get3A_24 = arith.constant 0 : index
    %get3A_25 = arith.constant 0 : index
    %get3A_26 = vector.load %arg1[%get3A_22, %get3A_23, %get3A_24, %get3A_25] : memref<4x32x32x32xf32, #tpu.memory_space<vmem>>, vector<1x32x32x32xf32>
    %get3A_27 = vector.shape_cast %get3A_26 : vector<1x32x32x32xf32> to vector<32x32x32xf32>
    %reshape3A_28 = vector.shape_cast %get3A_27 : vector<32x32x32xf32> to vector<32x1024xf32>
    %convert_element_type3A_29 = arith.truncf %reshape3A_28 : vector<32x1024xf32> to vector<32x1024xbf16>
    %dot_general3A_30 = arith.constant dense<0.000000e+00> : vector<1024x1024xf32>
    %dot_general3A_31 = tpu.matmul %convert_element_type3A, %convert_element_type3A_29, %dot_general3A_30 {dimension_numbers = #tpu.dot_dimension_numbers<[0], [0], [1], [1], [0, 1, 1, 1], [], []>, transpose_lhs_hint = false} : vector<32x1024xbf16>, vector<32x1024xbf16>, vector<1024x1024xf32> -> vector<1024x1024xf32>
    %mul3A_32 = arith.mulf %reshape3A_28, %reshape3A_28 : vector<32x1024xf32>
    %reduce_sum3A_33 = arith.constant dense<0.000000e+00> : vector<1024xf32>
    %reduce_sum3A_34 = vector.multi_reduction <add>, %mul3A_32, %reduce_sum3A_33 [0] : vector<32x1024xf32> to vector<1024xf32>
    %broadcast_in_dim3A_35 = vector.shape_cast %reduce_sum3A_34 : vector<1024xf32> to vector<1x1024xf32>
    %add3A_36 = vector.broadcast %broadcast_in_dim3A_35 : vector<1x1024xf32> to vector<1024x1024xf32>
    %add3A_37 = vector.broadcast %dot_general3A_3 : vector<1024x1xf32> to vector<1024x1024xf32>
    %add3A_38 = arith.addf %add3A_36, %add3A_37 : vector<1024x1024xf32>
    %mul3A_39 = arith.constant 2.000000e+00 : f32
    %mul3A_40 = vector.broadcast %mul3A_39 : f32 to vector<1024x1024xf32>
    %mul3A_41 = arith.mulf %mul3A_40, %dot_general3A_31 : vector<1024x1024xf32>
    %sub3A_42 = arith.subf %add3A_38, %mul3A_41 : vector<1024x1024xf32>
    %argmin3A_43 = tpu.reduce_index %sub3A_42 {axis = 0 : i32, kind = #tpu.reduction_kind<arg_min>} : vector<1024x1024xf32> -> vector<1024xi32>
    %swap3A_44 = arith.constant 1024 : index
    %swap3A_45 = vector.load %arg3[%swap3A_44] : memref<4096xi32, #tpu.memory_space<vmem>>, vector<1024xi32>
    tpu.vector_store %arg3[%swap3A_44], %argmin3A_43 {strides = array<i32>} : memref<4096xi32, #tpu.memory_space<vmem>>, vector<1024xi32>,
    %get3A_46 = arith.constant 2 : index
    %get3A_47 = arith.constant 0 : index
    %get3A_48 = arith.constant 0 : index
    %get3A_49 = arith.constant 0 : index
    %get3A_50 = vector.load %arg1[%get3A_46, %get3A_47, %get3A_48, %get3A_49] : memref<4x32x32x32xf32, #tpu.memory_space<vmem>>, vector<1x32x32x32xf32>
    %get3A_51 = vector.shape_cast %get3A_50 : vector<1x32x32x32xf32> to vector<32x32x32xf32>
    %reshape3A_52 = vector.shape_cast %get3A_51 : vector<32x32x32xf32> to vector<32x1024xf32>
    %convert_element_type3A_53 = arith.truncf %reshape3A_52 : vector<32x1024xf32> to vector<32x1024xbf16>
    %dot_general3A_54 = arith.constant dense<0.000000e+00> : vector<1024x1024xf32>
    %dot_general3A_55 = tpu.matmul %convert_element_type3A, %convert_element_type3A_53, %dot_general3A_54 {dimension_numbers = #tpu.dot_dimension_numbers<[0], [0], [1], [1], [0, 1, 1, 1], [], []>, transpose_lhs_hint = false} : vector<32x1024xbf16>, vector<32x1024xbf16>, vector<1024x1024xf32> -> vector<1024x1024xf32>
    %mul3A_56 = arith.mulf %reshape3A_52, %reshape3A_52 : vector<32x1024xf32>
    %reduce_sum3A_57 = arith.constant dense<0.000000e+00> : vector<1024xf32>
    %reduce_sum3A_58 = vector.multi_reduction <add>, %mul3A_56, %reduce_sum3A_57 [0] : vector<32x1024xf32> to vector<1024xf32>
    %broadcast_in_dim3A_59 = vector.shape_cast %reduce_sum3A_58 : vector<1024xf32> to vector<1x1024xf32>
    %add3A_60 = vector.broadcast %broadcast_in_dim3A_59 : vector<1x1024xf32> to vector<1024x1024xf32>
    %add3A_61 = vector.broadcast %dot_general3A_3 : vector<1024x1xf32> to vector<1024x1024xf32>
    %add3A_62 = arith.addf %add3A_60, %add3A_61 : vector<1024x1024xf32>
    %mul3A_63 = arith.constant 2.000000e+00 : f32
    %mul3A_64 = vector.broadcast %mul3A_63 : f32 to vector<1024x1024xf32>
    %mul3A_65 = arith.mulf %mul3A_64, %dot_general3A_55 : vector<1024x1024xf32>
    %sub3A_66 = arith.subf %add3A_62, %mul3A_65 : vector<1024x1024xf32>
    %argmin3A_67 = tpu.reduce_index %sub3A_66 {axis = 0 : i32, kind = #tpu.reduction_kind<arg_min>} : vector<1024x1024xf32> -> vector<1024xi32>
    %swap3A_68 = arith.constant 2048 : index
    %swap3A_69 = vector.load %arg3[%swap3A_68] : memref<4096xi32, #tpu.memory_space<vmem>>, vector<1024xi32>
    tpu.vector_store %arg3[%swap3A_68], %argmin3A_67 {strides = array<i32>} : memref<4096xi32, #tpu.memory_space<vmem>>, vector<1024xi32>,
    %get3A_70 = arith.constant 3 : index
    %get3A_71 = arith.constant 0 : index
    %get3A_72 = arith.constant 0 : index
    %get3A_73 = arith.constant 0 : index
    %get3A_74 = vector.load %arg1[%get3A_70, %get3A_71, %get3A_72, %get3A_73] : memref<4x32x32x32xf32, #tpu.memory_space<vmem>>, vector<1x32x32x32xf32>
    %get3A_75 = vector.shape_cast %get3A_74 : vector<1x32x32x32xf32> to vector<32x32x32xf32>
    %reshape3A_76 = vector.shape_cast %get3A_75 : vector<32x32x32xf32> to vector<32x1024xf32>
    %convert_element_type3A_77 = arith.truncf %reshape3A_76 : vector<32x1024xf32> to vector<32x1024xbf16>
    %dot_general3A_78 = arith.constant dense<0.000000e+00> : vector<1024x1024xf32>
    %dot_general3A_79 = tpu.matmul %convert_element_type3A, %convert_element_type3A_77, %dot_general3A_78 {dimension_numbers = #tpu.dot_dimension_numbers<[0], [0], [1], [1], [0, 1, 1, 1], [], []>, transpose_lhs_hint = false} : vector<32x1024xbf16>, vector<32x1024xbf16>, vector<1024x1024xf32> -> vector<1024x1024xf32>
    %mul3A_80 = arith.mulf %reshape3A_76, %reshape3A_76 : vector<32x1024xf32>
    %reduce_sum3A_81 = arith.constant dense<0.000000e+00> : vector<1024xf32>
    %reduce_sum3A_82 = vector.multi_reduction <add>, %mul3A_80, %reduce_sum3A_81 [0] : vector<32x1024xf32> to vector<1024xf32>
    %broadcast_in_dim3A_83 = vector.shape_cast %reduce_sum3A_82 : vector<1024xf32> to vector<1x1024xf32>
    %add3A_84 = vector.broadcast %broadcast_in_dim3A_83 : vector<1x1024xf32> to vector<1024x1024xf32>
    %add3A_85 = vector.broadcast %dot_general3A_3 : vector<1024x1xf32> to vector<1024x1024xf32>
    %add3A_86 = arith.addf %add3A_84, %add3A_85 : vector<1024x1024xf32>
    %mul3A_87 = arith.constant 2.000000e+00 : f32
    %mul3A_88 = vector.broadcast %mul3A_87 : f32 to vector<1024x1024xf32>
    %mul3A_89 = arith.mulf %mul3A_88, %dot_general3A_79 : vector<1024x1024xf32>
    %sub3A_90 = arith.subf %add3A_86, %mul3A_89 : vector<1024x1024xf32>
    %argmin3A_91 = tpu.reduce_index %sub3A_90 {axis = 0 : i32, kind = #tpu.reduction_kind<arg_min>} : vector<1024x1024xf32> -> vector<1024xi32>
    %swap3A_92 = arith.constant 3072 : index
    %swap3A_93 = vector.load %arg3[%swap3A_92] : memref<4096xi32, #tpu.memory_space<vmem>>, vector<1024xi32>
    tpu.vector_store %arg3[%swap3A_92], %argmin3A_91 {strides = array<i32>} : memref<4096xi32, #tpu.memory_space<vmem>>, vector<1024xi32>,
    return
  }
  func.func @transform_0(%arg0: i32) -> (i32, i32, i32, i32) {
    %add3A = arith.constant 0 : i32
    %add3A_0 = arith.addi %add3A, %arg0 : i32
    %c0_i32 = arith.constant 0 : i32
    %c0_i32_1 = arith.constant 0 : i32
    %c0_i32_2 = arith.constant 0 : i32
    %c0_i32_3 = arith.constant 0 : i32
    return %add3A_0, %c0_i32, %c0_i32_1, %c0_i32_2 : i32, i32, i32, i32
  }
  func.func @transform_1(%arg0: i32) -> (i32, i32) {
    %c0_i32 = arith.constant 0 : i32
    %c0_i32_0 = arith.constant 0 : i32
    %c0_i32_1 = arith.constant 0 : i32
    return %c0_i32, %c0_i32_0 : i32, i32
  }
  func.func @transform_2(%arg0: i32) -> i32 {
    %c0_i32 = arith.constant 0 : i32
    return %arg0 : i32
  }
}

module attributes {stable_mosaic.version = 14 : i64} {
  func.func @_argmin_body(%arg0: i32, %arg1: memref<4x32x32x32xf32, #tpu.memory_space<vmem>>, %arg2: memref<32x1024xf32, #tpu.memory_space<vmem>>, %arg3: memref<4096xi32, #tpu.memory_space<vmem>>) attributes {dimension_semantics = [#tpu.dimension_semantics<arbitrary>], iteration_bounds = array<i64: 2>, scalar_prefetch = 0 : i64, scratch_operands = 0 : i64, tpu.core_type = #tpu.core_type<tc>, window_params = [{transform_indices = @transform_0, window_bounds = array<i64: 4, 32, 32, 32>}, {pipeline_mode = #tpu.pipeline_mode<synchronous>, transform_indices = @transform_1, window_bounds = array<i64: 32, 1024>}, {transform_indices = @transform_2, window_bounds = array<i64: 4096>}]} {
    %get3A = arith.constant 0 : index
    %get3A_0 = arith.constant 0 : index
    %get3A_1 = vector.load %arg2[%get3A, %get3A_0] : memref<32x1024xf32, #tpu.memory_space<vmem>>, vector<32x1024xf32>
    %broadcast_in_dim3A = arith.constant 1.000000e+00 : f32
    %broadcast_in_dim3A_2 = vector.broadcast %broadcast_in_dim3A : f32 to vector<32x1xf32>
    %mul3A = arith.mulf %get3A_1, %get3A_1 : vector<32x1024xf32>
    %dot_general3A = arith.constant dense<0.000000e+00> : vector<1024x1xf32>
    %dot_general3A_3 = tpu.matmul %mul3A, %broadcast_in_dim3A_2, %dot_general3A {dimension_numbers = #tpu.dot_dimension_numbers<[0], [0], [1], [1], [0, 1, 1, 1], [], []>, precision = #tpu.contract_precision<fp32>, transpose_lhs_hint = false} : vector<32x1024xf32>, vector<32x1xf32>, vector<1024x1xf32> -> vector<1024x1xf32>
    %convert_element_type3A = arith.truncf %get3A_1 : vector<32x1024xf32> to vector<32x1024xbf16>
    %get3A_4 = arith.constant 0 : index
    %get3A_5 = arith.constant 0 : index
    %get3A_6 = arith.constant 0 : index
    %get3A_7 = arith.constant 0 : index
    %get3A_8 = vector.load %arg1[%get3A_4, %get3A_5, %get3A_6, %get3A_7] : memref<4x32x32x32xf32, #tpu.memory_space<vmem>>, vector<1x32x32x32xf32>
    %get3A_9 = vector.shape_cast %get3A_8 : vector<1x32x32x32xf32> to vector<32x32x32xf32>
    %reshape3A = vector.shape_cast %get3A_9 : vector<32x32x32xf32> to vector<32x1024xf32>
    %convert_element_type3A_10 = arith.truncf %reshape3A : vector<32x1024xf32> to vector<32x1024xbf16>
    %dot_general3A_11 = arith.constant dense<0.000000e+00> : vector<1024x1024xf32>
    %dot_general3A_12 = tpu.matmul %convert_element_type3A, %convert_element_type3A_10, %dot_general3A_11 {dimension_numbers = #tpu.dot_dimension_numbers<[0], [0], [1], [1], [0, 1, 1, 1], [], []>, transpose_lhs_hint = false} : vector<32x1024xbf16>, vector<32x1024xbf16>, vector<1024x1024xf32> -> vector<1024x1024xf32>
    %mul3A_13 = arith.mulf %reshape3A, %reshape3A : vector<32x1024xf32>
    %reduce_sum3A = arith.constant dense<0.000000e+00> : vector<1024xf32>
    %reduce_sum3A_14 = vector.multi_reduction <add>, %mul3A_13, %reduce_sum3A [0] : vector<32x1024xf32> to vector<1024xf32>
    %broadcast_in_dim3A_15 = vector.shape_cast %reduce_sum3A_14 : vector<1024xf32> to vector<1x1024xf32>
    %add3A = vector.broadcast %broadcast_in_dim3A_15 : vector<1x1024xf32> to vector<1024x1024xf32>
    %add3A_16 = vector.broadcast %dot_general3A_3 : vector<1024x1xf32> to vector<1024x1024xf32>
    %add3A_17 = arith.addf %add3A, %add3A_16 : vector<1024x1024xf32>
    %mul3A_18 = arith.constant 2.000000e+00 : f32
    %mul3A_19 = vector.broadcast %mul3A_18 : f32 to vector<1024x1024xf32>
    %mul3A_20 = arith.mulf %mul3A_19, %dot_general3A_12 : vector<1024x1024xf32>
    %sub3A = arith.subf %add3A_17, %mul3A_20 : vector<1024x1024xf32>
    %argmin3A = tpu.reduce_index %sub3A {axis = 0 : i32, kind = #tpu.reduction_kind<arg_min>} : vector<1024x1024xf32> -> vector<1024xi32>
    %swap3A = arith.constant 0 : index
    %swap3A_21 = vector.load %arg3[%swap3A] : memref<4096xi32, #tpu.memory_space<vmem>>, vector<1024xi32>
    tpu.vector_store %arg3[%swap3A], %argmin3A {strides = array<i32>} : memref<4096xi32, #tpu.memory_space<vmem>>, vector<1024xi32>,
    %get3A_22 = arith.constant 1 : index
    %get3A_23 = arith.constant 0 : index
    %get3A_24 = arith.constant 0 : index
    %get3A_25 = arith.constant 0 : index
    %get3A_26 = vector.load %arg1[%get3A_22, %get3A_23, %get3A_24, %get3A_25] : memref<4x32x32x32xf32, #tpu.memory_space<vmem>>, vector<1x32x32x32xf32>
    %get3A_27 = vector.shape_cast %get3A_26 : vector<1x32x32x32xf32> to vector<32x32x32xf32>
    %reshape3A_28 = vector.shape_cast %get3A_27 : vector<32x32x32xf32> to vector<32x1024xf32>
    %convert_element_type3A_29 = arith.truncf %reshape3A_28 : vector<32x1024xf32> to vector<32x1024xbf16>
    %dot_general3A_30 = arith.constant dense<0.000000e+00> : vector<1024x1024xf32>
    %dot_general3A_31 = tpu.matmul %convert_element_type3A, %convert_element_type3A_29, %dot_general3A_30 {dimension_numbers = #tpu.dot_dimension_numbers<[0], [0], [1], [1], [0, 1, 1, 1], [], []>, transpose_lhs_hint = false} : vector<32x1024xbf16>, vector<32x1024xbf16>, vector<1024x1024xf32> -> vector<1024x1024xf32>
    %mul3A_32 = arith.mulf %reshape3A_28, %reshape3A_28 : vector<32x1024xf32>
    %reduce_sum3A_33 = arith.constant dense<0.000000e+00> : vector<1024xf32>
    %reduce_sum3A_34 = vector.multi_reduction <add>, %mul3A_32, %reduce_sum3A_33 [0] : vector<32x1024xf32> to vector<1024xf32>
    %broadcast_in_dim3A_35 = vector.shape_cast %reduce_sum3A_34 : vector<1024xf32> to vector<1x1024xf32>
    %add3A_36 = vector.broadcast %broadcast_in_dim3A_35 : vector<1x1024xf32> to vector<1024x1024xf32>
    %add3A_37 = vector.broadcast %dot_general3A_3 : vector<1024x1xf32> to vector<1024x1024xf32>
    %add3A_38 = arith.addf %add3A_36, %add3A_37 : vector<1024x1024xf32>
    %mul3A_39 = arith.constant 2.000000e+00 : f32
    %mul3A_40 = vector.broadcast %mul3A_39 : f32 to vector<1024x1024xf32>
    %mul3A_41 = arith.mulf %mul3A_40, %dot_general3A_31 : vector<1024x1024xf32>
    %sub3A_42 = arith.subf %add3A_38, %mul3A_41 : vector<1024x1024xf32>
    %argmin3A_43 = tpu.reduce_index %sub3A_42 {axis = 0 : i32, kind = #tpu.reduction_kind<arg_min>} : vector<1024x1024xf32> -> vector<1024xi32>
    %swap3A_44 = arith.constant 1024 : index
    %swap3A_45 = vector.load %arg3[%swap3A_44] : memref<4096xi32, #tpu.memory_space<vmem>>, vector<1024xi32>
    tpu.vector_store %arg3[%swap3A_44], %argmin3A_43 {strides = array<i32>} : memref<4096xi32, #tpu.memory_space<vmem>>, vector<1024xi32>,
    %get3A_46 = arith.constant 2 : index
    %get3A_47 = arith.constant 0 : index
    %get3A_48 = arith.constant 0 : index
    %get3A_49 = arith.constant 0 : index
    %get3A_50 = vector.load %arg1[%get3A_46, %get3A_47, %get3A_48, %get3A_49] : memref<4x32x32x32xf32, #tpu.memory_space<vmem>>, vector<1x32x32x32xf32>
    %get3A_51 = vector.shape_cast %get3A_50 : vector<1x32x32x32xf32> to vector<32x32x32xf32>
    %reshape3A_52 = vector.shape_cast %get3A_51 : vector<32x32x32xf32> to vector<32x1024xf32>
    %convert_element_type3A_53 = arith.truncf %reshape3A_52 : vector<32x1024xf32> to vector<32x1024xbf16>
    %dot_general3A_54 = arith.constant dense<0.000000e+00> : vector<1024x1024xf32>
    %dot_general3A_55 = tpu.matmul %convert_element_type3A, %convert_element_type3A_53, %dot_general3A_54 {dimension_numbers = #tpu.dot_dimension_numbers<[0], [0], [1], [1], [0, 1, 1, 1], [], []>, transpose_lhs_hint = false} : vector<32x1024xbf16>, vector<32x1024xbf16>, vector<1024x1024xf32> -> vector<1024x1024xf32>
    %mul3A_56 = arith.mulf %reshape3A_52, %reshape3A_52 : vector<32x1024xf32>
    %reduce_sum3A_57 = arith.constant dense<0.000000e+00> : vector<1024xf32>
    %reduce_sum3A_58 = vector.multi_reduction <add>, %mul3A_56, %reduce_sum3A_57 [0] : vector<32x1024xf32> to vector<1024xf32>
    %broadcast_in_dim3A_59 = vector.shape_cast %reduce_sum3A_58 : vector<1024xf32> to vector<1x1024xf32>
    %add3A_60 = vector.broadcast %broadcast_in_dim3A_59 : vector<1x1024xf32> to vector<1024x1024xf32>
    %add3A_61 = vector.broadcast %dot_general3A_3 : vector<1024x1xf32> to vector<1024x1024xf32>
    %add3A_62 = arith.addf %add3A_60, %add3A_61 : vector<1024x1024xf32>
    %mul3A_63 = arith.constant 2.000000e+00 : f32
    %mul3A_64 = vector.broadcast %mul3A_63 : f32 to vector<1024x1024xf32>
    %mul3A_65 = arith.mulf %mul3A_64, %dot_general3A_55 : vector<1024x1024xf32>
    %sub3A_66 = arith.subf %add3A_62, %mul3A_65 : vector<1024x1024xf32>
    %argmin3A_67 = tpu.reduce_index %sub3A_66 {axis = 0 : i32, kind = #tpu.reduction_kind<arg_min>} : vector<1024x1024xf32> -> vector<1024xi32>
    %swap3A_68 = arith.constant 2048 : index
    %swap3A_69 = vector.load %arg3[%swap3A_68] : memref<4096xi32, #tpu.memory_space<vmem>>, vector<1024xi32>
    tpu.vector_store %arg3[%swap3A_68], %argmin3A_67 {strides = array<i32>} : memref<4096xi32, #tpu.memory_space<vmem>>, vector<1024xi32>,
    %get3A_70 = arith.constant 3 : index
    %get3A_71 = arith.constant 0 : index
    %get3A_72 = arith.constant 0 : index
    %get3A_73 = arith.constant 0 : index
    %get3A_74 = vector.load %arg1[%get3A_70, %get3A_71, %get3A_72, %get3A_73] : memref<4x32x32x32xf32, #tpu.memory_space<vmem>>, vector<1x32x32x32xf32>
    %get3A_75 = vector.shape_cast %get3A_74 : vector<1x32x32x32xf32> to vector<32x32x32xf32>
    %reshape3A_76 = vector.shape_cast %get3A_75 : vector<32x32x32xf32> to vector<32x1024xf32>
    %convert_element_type3A_77 = arith.truncf %reshape3A_76 : vector<32x1024xf32> to vector<32x1024xbf16>
    %dot_general3A_78 = arith.constant dense<0.000000e+00> : vector<1024x1024xf32>
    %dot_general3A_79 = tpu.matmul %convert_element_type3A, %convert_element_type3A_77, %dot_general3A_78 {dimension_numbers = #tpu.dot_dimension_numbers<[0], [0], [1], [1], [0, 1, 1, 1], [], []>, transpose_lhs_hint = false} : vector<32x1024xbf16>, vector<32x1024xbf16>, vector<1024x1024xf32> -> vector<1024x1024xf32>
    %mul3A_80 = arith.mulf %reshape3A_76, %reshape3A_76 : vector<32x1024xf32>
    %reduce_sum3A_81 = arith.constant dense<0.000000e+00> : vector<1024xf32>
    %reduce_sum3A_82 = vector.multi_reduction <add>, %mul3A_80, %reduce_sum3A_81 [0] : vector<32x1024xf32> to vector<1024xf32>
    %broadcast_in_dim3A_83 = vector.shape_cast %reduce_sum3A_82 : vector<1024xf32> to vector<1x1024xf32>
    %add3A_84 = vector.broadcast %broadcast_in_dim3A_83 : vector<1x1024xf32> to vector<1024x1024xf32>
    %add3A_85 = vector.broadcast %dot_general3A_3 : vector<1024x1xf32> to vector<1024x1024xf32>
    %add3A_86 = arith.addf %add3A_84, %add3A_85 : vector<1024x1024xf32>
    %mul3A_87 = arith.constant 2.000000e+00 : f32
    %mul3A_88 = vector.broadcast %mul3A_87 : f32 to vector<1024x1024xf32>
    %mul3A_89 = arith.mulf %mul3A_88, %dot_general3A_79 : vector<1024x1024xf32>
    %sub3A_90 = arith.subf %add3A_86, %mul3A_89 : vector<1024x1024xf32>
    %argmin3A_91 = tpu.reduce_index %sub3A_90 {axis = 0 : i32, kind = #tpu.reduction_kind<arg_min>} : vector<1024x1024xf32> -> vector<1024xi32>
    %swap3A_92 = arith.constant 3072 : index
    %swap3A_93 = vector.load %arg3[%swap3A_92] : memref<4096xi32, #tpu.memory_space<vmem>>, vector<1024xi32>
    tpu.vector_store %arg3[%swap3A_92], %argmin3A_91 {strides = array<i32>} : memref<4096xi32, #tpu.memory_space<vmem>>, vector<1024xi32>,
    return
  }
  func.func @transform_0(%arg0: i32) -> (i32, i32, i32, i32) {
    %add3A = arith.constant 2 : i32
    %add3A_0 = arith.addi %add3A, %arg0 : i32
    %c0_i32 = arith.constant 0 : i32
    %c0_i32_1 = arith.constant 0 : i32
    %c0_i32_2 = arith.constant 0 : i32
    %c0_i32_3 = arith.constant 0 : i32
    return %add3A_0, %c0_i32, %c0_i32_1, %c0_i32_2 : i32, i32, i32, i32
  }
  func.func @transform_1(%arg0: i32) -> (i32, i32) {
    %c0_i32 = arith.constant 0 : i32
    %c0_i32_0 = arith.constant 0 : i32
    %c0_i32_1 = arith.constant 0 : i32
    return %c0_i32, %c0_i32_0 : i32, i32
  }
  func.func @transform_2(%arg0: i32) -> i32 {
    %c0_i32 = arith.constant 0 : i32
    return %arg0 : i32
  }
}

</mosaic_0001>

<sc_bundles>
// kernel: kernel.6.cloned.1.call-start
scs
__scs_entry_jumppad:
0x0: {  	(pc) =	sbr.rel $0x88, $3  }
0x1: {  	(tag) =	ssettag $0x0;
	lr =	simm.s32 $0x1  }
0x2: {  	[smem:$0x3F9F] =	sst lr;
	_ =	strace $0xD0000000  }
0x3: {  	_ = 	snop  }
0x4: {  	_ = 	snop  }
0x5: {  	_ = 	snop  }
0x6: {  	_ = 	snop  }
0x7: {  	_ = 	snop  }
__scs_overlays_trampoline_lowered:
0x8: {  	[smem:$0x3FAE] =	sst s0  }
0x9: {  	[smem:$0x3FAF] =	sst s1  }
0xa: {  	[smem:$0x3FB0] =	sst s2  }
0xb: {  	[smem:$0x3FB1] =	sst s3  }
0xc: {  	[smem:$0x3FB2] =	sst s4  }
0xd: {  	[smem:$0x3FB3] =	sst s5  }
0xe: {  	[smem:$0x3FB4] =	sst s6  }
0xf: {  	[smem:$0x3FB5] =	sst s7  }
0x10: {  	[smem:$0x3FB6] =	sst s8  }
0x11: {  	[smem:$0x3FB7] =	sst s9;
	s0 =	simm.s32 @!p0 $0x0  }
0x12: {  	s1 =	sld [smem:$0x3F9D];
	s0 =	simm.s32 @p0 $0x1  }
0x13: {  	[smem:$0x3FB8] =	sst s0;
	s0 =	simm.s32 @!p1 $0x0  }
0x14: {  	s2 =	sld [smem:$0x3F9C];
	s0 =	simm.s32 @p1 $0x1  }
0x15: {  	[smem:$0x3FB9] =	sst s0;
	s0 =	simm.s32 @!p2 $0x0  }
0x16: {  	s3 =	sld [smem:$0x3FDB];
	s0 =	simm.s32 @p2 $0x1  }
0x17: {  	s4 =	simm.s32 $0x1BF5;
	[smem:$0x3FBB] =	sst s0  }
0x18: {  	s0 =	sld [smem:$0x3F9E];
	_ =	swait.ge [sflag:s4], $0x0  }
0x19: {  	s7 =	sld [smem:$0x3F9F]  }
0x1a: {  	s8 =	sadd.s32 $0xFFFFE003, lr  }
0x1b: {  	s9 =	sadd.s32 $0xFFFFFEF7, lr;
	s5 =	simm.s32 $0xFFFFFFFF;
	p2 =	slt.u32 s8, $0xFFFFF086  }
0x1c: {  	p1 =	slt.u32 s9, $0xF7A;
	s5 =	simm.s32 @!p2 $0x0  }
0x1d: {  	s5 =	simm.s32 @p1 $0x1;
	p0 =	seq.s32 s7, s2  }
0x1e: {  	s7 =	smul.u32 @!p0 $0xF7A, s2;
	p2 =	seq.s32 @!p0 s5, $0x0  }
0x1f: {  	s9 =	smul.u32 $0xF7A, s1;
	s8 =	simm.s32 @!p0 $0x1BF5;
	p2 =	por !p2, p0  }
0x20: {  	[sflag:s8] =	ssyncset.s32 @!p0 $0xFFFFF086;
	s6 =	sadd.s32 @!p0 s3, s7;
	s7 =	simm.s32 @!p0 $0x108  }
0x21: {  	s3 =	sadd.s32 s3, s9;
	s6 =	sadd.s32 @!p0 $0x88, s6;
	s7 =	simm.s32 @p2 $0x1082  }
0x22: {  	[simem:s7], [sflag:s8] =	dma.local @!p0 [hbm:s6], $0xF7A  }
0x23: {  	s9 =	sor.u32 $0xD0000000, s2;
	s6 =	simm.s32 $0x108;
	_ =	swait.ge @!p0 [sflag:s8], $0x0  }
0x24: {  	s3 =	sadd.s32 $0x88, s3;
	s6 =	simm.s32 @!p1 $0x1082;
	[sflag:s4] =	ssyncset.s32 $0xFFFFF086  }
0x25: {  	[simem:s6], [sflag:s4] =	dma.local [hbm:s3], $0xF7A  }
0x26: {  	[smem:$0x3F9F] =	sst s1;
	(tag) =	ssettag s2;
	_ =	strace s9  }
0x27: {  	s1 =	sld [smem:$0x3FAF]  }
0x28: {  	s2 =	sld [smem:$0x3FB0]  }
0x29: {  	s4 =	sld [smem:$0x3FB2]  }
0x2a: {  	p0 =	seq.s32 s5, $0x0;
	s5 =	sld [smem:$0x3FB3]  }
0x2b: {  	s6 =	sld [smem:$0x3FB4]  }
0x2c: {  	s7 =	sld [smem:$0x3FB5]  }
0x2d: {  	s3 =	simm.s32 $0x108;
	s8 =	sld [smem:$0x3FB6]  }
0x2e: {  	s3 =	simm.s32 @!p0 $0x1082;
	s9 =	sld [smem:$0x3FB7]  }
0x2f: {  	lr =	sadd.s32 s0, s3;
	s0 =	sld [smem:$0x3FAE]  }
0x30: {  	s3 =	sld [smem:$0x3FB1]  }
0x31: {  	[smem:$0x3FBA] =	sst s10  }
0x32: {  	s10 =	sld [smem:$0x3FB8];
	_ =	sdelay $0x3  }
0x33: {  	p0 =	seq.s32 s10, $0x1;
	s10 =	sld [smem:$0x3FBA];
	_ =	sdelay $0x3  }
0x34: {  	[smem:$0x3FBA] =	sst s10  }
0x35: {  	s10 =	sld [smem:$0x3FB9];
	_ =	sdelay $0x3  }
0x36: {  	p1 =	seq.s32 s10, $0x1;
	s10 =	sld [smem:$0x3FBA];
	_ =	sdelay $0x3  }
0x37: {  	[smem:$0x3FBA] =	sst s10  }
0x38: {  	s10 =	sld [smem:$0x3FBB]  }
0x39: {  	_ = 	snop;
	(pc) =	sbr.ind lr, $3  }
0x3a: {  	_ = 	snop  }
0x3b: {  	_ = 	snop  }
0x3c: {  	p2 =	seq.s32 s10, $0x1;
	s10 =	sld [smem:$0x3FBA]  }
0x3d: {  	_ =	shalt  }
0x3e: {  	_ =	shalt  }
0x3f: {  	_ =	shalt  }
0x40: {  	_ =	shalt  }
0x41: {  	_ =	shalt  }
0x42: {  	_ =	shalt  }
0x43: {  	_ =	shalt  }
0x44: {  	_ =	shalt  }
0x45: {  	_ =	shalt  }
0x46: {  	_ =	shalt  }
0x47: {  	_ =	shalt  }
0x48: {  	_ =	shalt  }
0x49: {  	_ =	shalt  }
0x4a: {  	_ =	shalt  }
0x4b: {  	_ =	shalt  }
0x4c: {  	_ =	shalt  }
0x4d: {  	_ =	shalt  }
0x4e: {  	_ =	shalt  }
0x4f: {  	_ =	shalt  }
0x50: {  	_ =	shalt  }
0x51: {  	_ =	shalt  }
0x52: {  	_ =	shalt  }
0x53: {  	_ =	shalt  }
0x54: {  	_ =	shalt  }
0x55: {  	_ =	shalt  }
0x56: {  	_ =	shalt  }
0x57: {  	_ =	shalt  }
0x58: {  	_ =	shalt  }
0x59: {  	_ =	shalt  }
0x5a: {  	_ =	shalt  }
0x5b: {  	_ =	shalt  }
0x5c: {  	_ =	shalt  }
0x5d: {  	_ =	shalt  }
0x5e: {  	_ =	shalt  }
0x5f: {  	_ =	shalt  }
0x60: {  	_ =	shalt  }
0x61: {  	_ =	shalt  }
0x62: {  	_ =	shalt  }
0x63: {  	_ =	shalt  }
0x64: {  	_ =	shalt  }
0x65: {  	_ =	shalt  }
0x66: {  	_ =	shalt  }
0x67: {  	_ =	shalt  }
0x68: {  	_ =	shalt  }
0x69: {  	_ =	shalt  }
0x6a: {  	_ =	shalt  }
0x6b: {  	_ =	shalt  }
0x6c: {  	_ =	shalt  }
0x6d: {  	_ =	shalt  }
0x6e: {  	_ =	shalt  }
0x6f: {  	_ =	shalt  }
0x70: {  	_ =	shalt  }
0x71: {  	_ =	shalt  }
0x72: {  	_ =	shalt  }
0x73: {  	_ =	shalt  }
0x74: {  	_ =	shalt  }
0x75: {  	_ =	shalt  }
0x76: {  	_ =	shalt  }
0x77: {  	_ =	shalt  }
0x78: {  	_ =	shalt  }
0x79: {  	_ =	shalt  }
0x7a: {  	_ =	shalt  }
0x7b: {  	_ =	shalt  }
0x7c: {  	_ =	shalt  }
0x7d: {  	_ =	shalt  }
0x7e: {  	_ =	shalt  }
0x7f: {  	_ =	shalt  }
0x80: {  	_ =	shalt  }
0x81: {  	_ =	shalt  }
0x82: {  	_ =	shalt  }
0x83: {  	_ =	shalt  }
0x84: {  	_ =	shalt  }
0x85: {  	_ =	shalt  }
0x86: {  	_ =	shalt  }
0x87: {  	_ =	shalt  }
.Lfunc_end0:
.L_simem_size_0:
called_computation_lowered:
.L_overlay_start_0:
0x88: {  	s2 =	sld [smem:$0x3FD9]  }
0x89: {  	s3 =	sld [smem:$0x3FFE];
	_ =	sdelay $0x1  }
0x8a: {  	s1 =	srdreg.scid  }
0x8b: {  	s0 =	sand.u32 $0x1, s1  }
0x8c: {  	s15 =	sshll.u32 s0, $0xA;
	s2 =	sadd.s32 s3, s2  }
0x8d: {  	s2 =	sadd.s32 s2, s15  }
0x8e: {  	[smem:$0x3FC6] =	sst s2  }
0x8f: {  	_ = 	snop  }
0x90: {  	s2 =	sld [smem:$0x3FD0];
	_ =	sdelay $0x2  }
0x91: {  	s4 =	simm.s32 $0xB;
	s16 =	simm.s32 $0x10  }
0x92: {  	[smem:s16], [sflag:s4] =	dma.local [hbm:s2], $0x1  }
0x93: {  	_ =	swait.eq [sflag:s4], $0x1  }
0x94: {  	[sflag:s4] =	ssyncset.done $0x0  }
0x95: {  	s17 =	sld [smem:$0x10];
	[sflag:s4] =	ssyncadd.s32 $0xFFFFFFFF  }
0x96: {  	s18 =	sld [smem:$0x11];
	(tm) =	ssettm $0x1  }
0x97: {  	s19 =	sld [smem:$0x3FFB];
	_ =	sdelay $0x3  }
0x98: {  	_ =	strace s19  }
0x99: {  	s2 =	sld [smem:$0x3FFC];
	_ =	sdelay $0x3  }
0x9a: {  	_ =	strace s2  }
0x9b: {  	s2 =	sld [smem:$0x3FFD];
	_ =	sdelay $0x3  }
0x9c: {  	_ =	strace s2  }
0x9d: {  	_ =	strace $0x8FFFFFFF  }
0x9e: {  	s20 =	sld [smem:$0x3FDB];
	_ =	sdelay $0x1  }
0x9f: {  	s5 =	simm.s32 $_scs_section_size  }
0xa0: {  	s6 =	simm.s32 $_size__tile_overlayer_lowered;
	s7 =	simm.s32 $_tile_overlayer_lowered  }
0xa1: {  	s8 =	simm.s32 $0x1BFF;
	s21 =	sshll.u32 s7, $0x1;
	s5 =	sadd.s32 s5, s20  }
0xa2: {  	s22 =	simm.s32 $0x0;
	s6 =	sshll.u32 s6, $0x1;
	s7 =	sadd.s32 s21, s5  }
0xa3: {  	[timem:s22], [sflag:s8] =	dma.local [hbm:s7], s6  }
0xa4: {  	_ =	swait.ge [sflag:s8], s6  }
0xa5: {  	s6 =	ssub.s32 $0x0, s6;
	[sflag:s8] =	ssyncset.done $0x0  }
0xa6: {  	[sflag:s8] =	ssyncadd.s32 s6;
	_ =	sdelay $0x1  }
0xa7: {  	s23 =	simm.s32 $0x1B8B  }
0xa8: {  	_ =	swait.ge [sflag:s23], $0x1  }
0xa9: {  	[sflag:s23] =	ssyncset.done $0x0  }
0xaa: {  	[sflag:s23] =	ssyncadd.s32 $0xFFFFFFFF  }
0xab: {  	s6 =	sld [smem:$0x0]  }
0xac: {  	s7 =	sand.u32 $0xFFFFFFFE, s1  }
0xad: {  	p0 =	sne.s32 s1, s7  }
0xae: {  	s7 =	sshll.u32 @p0 s7, $0xE  }
0xaf: {  	s7 =	sadd.s32 @p0 $0x11B8D, s7;
	s8 =	sshll.u32 @p0 s6, $0x11  }
0xb0: {  	s7 =	sor.u32 @p0 s8, s7  }
0xb1: {  	[sflag:s7] =	ssyncadd.remote.s32 @p0 $0x1;
	_ =	sdelay $0x1  }
0xb2: {  	s7 =	simm.s32 @p0 $0x1B8D  }
0xb3: {  	_ =	swait.eq @p0 [sflag:s7], $0x1  }
0xb4: {  	[sflag:s7] =	ssyncadd.s32 @p0 $0xFFFFFFFF  }
0xb5: {  	s8 =	sshll.u32 @!p0 s1, $0xE  }
0xb6: {  	s8 =	sor.u32 @!p0 $0x4000, s8;
	s7 =	simm.s32 @!p0 $0x1B8D  }
0xb7: {  	s6 =	sshll.u32 @!p0 s6, $0x11;
	s8 =	sadd.s32 @!p0 $0x11B8D, s8;
	_ =	swait.eq @!p0 [sflag:s7], $0x1  }
0xb8: {  	s6 =	sor.u32 @!p0 s6, s8;
	[sflag:s7] =	ssyncadd.s32 @!p0 $0xFFFFFFFF  }
0xb9: {  	s25 =	simm.s32 $0x1B8E;
	s24 =	sld [smem:$0x3FFE];
	[sflag:s6] =	ssyncadd.remote.s32 @!p0 $0x1  }
0xba: {  	s26 =	simm.s32 $execute0_lowered;
	[smem:$0x3FD2] =	sst s25  }
0xbb: {  	s7 =	sshll.u32 s26, $0x1;
	_ =	strace $0x80000049;
	[dreg:$0x1] =	wrdreg $0xFFFFFFFF  }
0xbc: {  	s28 =	simm.s32 $_size_execute0_lowered;
	s5 =	sadd.s32 s5, s7;
	[dreg:$0x0] =	wrdreg $0x0  }
0xbd: {  	s7 =	sshll.u32 s28, $0x1;
	[dreg:$0x2] =	wrdreg s5  }
0xbe: {  	[dreg:$0x3] =	wrdreg s7  }
0xbf: {  	[dreg:$0x4] =	wrdreg $0xC0  }
0xc0: {  	_ =	task [dreg:s22], $0x5FFFF  }
0xc1: {  	[dreg:$0x1] =	wrdreg $0xFFFFFFFF  }
0xc2: {  	[dreg:$0x0] =	wrdreg $0x60  }
0xc3: {  	[dreg:$0x2] =	wrdreg s24  }
0xc4: {  	[dreg:$0x3] =	wrdreg s18  }
0xc5: {  	[dreg:$0x4] =	wrdreg s17  }
0xc6: {  	[dreg:$0x5] =	wrdreg $0x9  }
0xc7: {  	_ =	task.clear_ibuf [dreg:s22], $0x6FFFF;
	_ =	strace $0x90000049  }
0xc8: {  	s29 =	simm.s32 $0x9;
	_ =	strace $0x8000004B  }
0xc9: {  	_ =	swait.ge [sflag:s29], $0x1  }
0xca: {  	[sflag:s29] =	ssyncadd.s32 $0xFFFFFFFF  }
0xcb: {  	_ =	strace $0x9000004B  }
0xcc: {  	_ =	sfence  }
0xcd: {  	s30 =	sld [smem:$0x0];
	_ =	sdelay $0x2  }
0xce: {  	s31 =	sshll.u32 s1, $0xD;
	s1 =	sshrl.u32 s1, $0x2  }
0xcf: {  	s4 =	sand.u32 $0x4000, s31;
	s1 =	sadd.s32 s1, s30  }
0xd0: {  	s0 =	sor.u32 s4, s0;
	s1 =	sshll.u32 s1, $0x11  }
0xd1: {  	s0 =	sor.u32 s1, s0  }
0xd2: {  	s0 =	sadd.s32 $0x8F2B, s0  }
0xd3: {  	[sflag:s0] =	ssyncadd.remote.s32 $0x1  }
0xd4: {  	_ =	sfence.sel $0xFFFF  }
0xd5: {  	[dreg:$0x0] =	wrdreg $0xFFFFFFFF;
	(pc) =	sbr.abs _section_cstart, $3  }
0xd6: {  	[dreg:$0x1] =	wrdreg $0xFFFFFFFF  }
0xd7: {  	_ =	task.clear_ibuf [dreg:s22], $0x2FFFF;
	_ =	strace $0x9FFFFFFF  }
0xd8: {  	(tm) =	ssettm $0x7FFFFFFF  }
0xd9: {  	_ =	shalt  }
tec
execute0_lowered:
.L_overlay_start_1:
0x0: {  	(tag) =	ssettag $0x1  }
0x1: {  	s3 =	rddreg [dreg:$0x0]  }
0x2: {  	s5 =	rddreg [dreg:$0x1]  }
0x3: {  	s6 =	rddreg [dreg:$0x2]  }
0x4: {  	s0 =	rddreg [dreg:$0x3];
	s2 =	simm.s32 $0x0;
	s1 =	stileid.u32  }
0x5: {  	s7 =	srdreg.scid;
	[smem:$0x7FF] =	sst s2  }
0x6: {  	s4 =	sshrl.u32 s1, $0x1;
	s8 =	sshll.u32 s1, $0x1;
	s7 =	sand.u32 $0x1, s7  }
0x7: {  	_ =	strace $0x8000004A;
	s9 =	sshll.u32 s4, $0x7;
	s8 =	sand.u32 $0x2, s8  }
0x8: {  	s4 =	sshll.u32 s4, $0xC;
	s8 =	sor.u32 s7, s8;
	s7 =	ssub.s32 $0x2, s7  }
0x9: {  	s9 =	sadd.s32 s9, s3;
	s8 =	sshll.u32 s8, $0xA;
	s10 =	sshrl.u32 s7, $0x1  }
0xa: {  	s11 =	sadd.s32 s8, s3;
	s7 =	ssub.s32 s7, s10;
	s8 =	sor.u32 s4, s8  }
0xb: {  	s3 =	sadd.s32 $0x13200, s9;
	s9 =	simm.s32 $0x400;
	s10 =	simm.s32 $0x2400  }
0xc: {  	s4 =	sadd.s32 $0x2200, s11;
	s5 =	sadd.s32 s5, s8;
	s6 =	sadd.s32 s6, s8  }
0xd: {  	s7 =	smax.u32 s7, $0x1;
	s8 =	simm.s32 $0x1;
	s11 =	simm.s32 $0x0  }
.LBB2_1:
0xe: {  	[tilespmem:s2], [sflag:$0x1] =	stream.linear.gather [hbm4b:s3+s2], $0x400, $0x38;
	[tilespmem:$0x4400] =	vst v63  }
0xf: {  	_ =	swait.ge [sflag:s8], $0x400  }
0x10: {  	[sflag:s8] =	ssyncset.done $0x0  }
0x11: {  	[sflag:s8] =	ssyncadd.s32 $0xFFFFFC00  }
0x12: {  	[tilespmem:s9], [sflag:$0x1] =	stream.linear.gather [hbm4b:s4+s2], $0x2000, $0x38;
	[tilespmem:$0x4400] =	vst v63  }
0x13: {  	_ =	swait.ge [sflag:s8], $0x2000  }
0x14: {  	[sflag:s8] =	ssyncset.done $0x0  }
0x15: {  	s12 =	simm.s32 $0x0;
	[sflag:s8] =	ssyncadd.s32 $0xFFFFE000  }
0x16: {  	v1 =	vld [tilespmem:s12+$0x0];
	_ =	sdelay $0x4  }
0x17: {  	v2 =	vadd.s32 $0x1000, v1  }
0x18: {  	v3 =	vadd.s32 $0xC00, v1  }
0x19: {  	v4 =	vadd.s32 $0x800, v1  }
0x1a: {  	v0 =	vld [tilespmem:s12+$0x10];
	v5 =	vadd.s32 $0x400, v1  }
0x1b: {  	v6 =	vadd.s32 $0x1C00, v1;
	v8 =	vld.idx.msk [tilespmem:v1+s9+$0x0], $0xffff  }
0x1c: {  	v7 =	vadd.s32 $0x1800, v1;
	v2 =	vld.idx.msk [tilespmem:v2+s9+$0x0], $0xffff  }
0x1d: {  	v1 =	vadd.s32 $0x1400, v1;
	v3 =	vld.idx.msk [tilespmem:v3+s9+$0x0], $0xffff  }
0x1e: {  	v4 =	vld.idx.msk [tilespmem:v4+s9+$0x0], $0xffff  }
0x1f: {  	v5 =	vld.idx.msk [tilespmem:v5+s9+$0x0], $0xffff  }
0x20: {  	v6 =	vld.idx.msk [tilespmem:v6+s9+$0x0], $0xffff  }
0x21: {  	v7 =	vld.idx.msk [tilespmem:v7+s9+$0x0], $0xffff  }
0x22: {  	v1 =	vld.idx.msk [tilespmem:v1+s9+$0x0], $0xffff;
	[tilespmem:s12+$0x2400] =	vst v8  }
0x23: {  	[tilespmem:s12+$0x3000] =	vst v3  }
0x24: {  	[tilespmem:s12+$0x2C00] =	vst v4  }
0x25: {  	v9 =	vadd.s32 $0x1800, v0;
	[tilespmem:s12+$0x2800] =	vst v5  }
0x26: {  	[tilespmem:s12+$0x3400] =	vst v2;
	v2 =	vadd.s32 $0x400, v0  }
0x27: {  	[tilespmem:s12+$0x3C00] =	vst v7;
	v7 =	vadd.s32 $0x800, v0  }
0x28: {  	[tilespmem:s12+$0x4000] =	vst v6;
	v4 =	vadd.s32 $0xC00, v0  }
0x29: {  	v5 =	vadd.s32 $0x1000, v0;
	[tilespmem:s12+$0x3800] =	vst v1;
	v1 =	vld [tilespmem:s12+$0x20]  }
0x2a: {  	s13 =	simm.s32 $0x100;
	v3 =	vadd.s32 $0x1C00, v0;
	v6 =	vadd.s32 $0x1400, v0;
	v8 =	vld.idx.msk [tilespmem:v9+s9+$0x0], $0xffff  }
.LBB2_2:
0x2b: {  	p0 =	sne.s32 s13, $0xF00;
	v2 =	vld.idx.msk [tilespmem:v2+s9+$0x0], $0xffff;
	s14 =	smov.u32 s13;
	s13 =	sadd.s32 $0x100, s13  }
0x2c: {  	v7 =	vld.idx.msk [tilespmem:v7+s9+$0x0], $0xffff  }
0x2d: {  	v4 =	vld.idx.msk [tilespmem:v4+s9+$0x0], $0xffff  }
0x2e: {  	v5 =	vld.idx.msk [tilespmem:v5+s9+$0x0], $0xffff  }
0x2f: {  	v6 =	vld.idx.msk [tilespmem:v6+s9+$0x0], $0xffff  }
0x30: {  	v3 =	vld.idx.msk [tilespmem:v3+s9+$0x0], $0xffff  }
0x31: {  	v0 =	vld.idx.msk [tilespmem:v0+s9+$0x0], $0xffff  }
0x32: {  	[tilespmem:s12+$0x3C10] =	vst v8  }
0x33: {  	[tilespmem:s12+$0x3010] =	vst v4  }
0x34: {  	[tilespmem:s12+$0x3410] =	vst v5  }
0x35: {  	[tilespmem:s12+$0x3810] =	vst v6  }
0x36: {  	[tilespmem:s12+$0x4010] =	vst v3;
	v3 =	vadd.s32 $0x400, v1  }
0x37: {  	[tilespmem:s12+$0x2410] =	vst v0;
	v0 =	vadd.s32 $0x800, v1  }
0x38: {  	v4 =	vadd.s32 $0xC00, v1;
	[tilespmem:s12+$0x2C10] =	vst v7  }
0x39: {  	[tilespmem:s12+$0x2810] =	vst v2;
	v2 =	vadd.s32 $0x1800, v1  }
0x3a: {  	v6 =	vadd.s32 $0x1400, v1;
	v5 =	vld.idx.msk [tilespmem:v1+s9+$0x0], $0xffff  }
0x3b: {  	v3 =	vld.idx.msk [tilespmem:v3+s9+$0x0], $0xffff  }
0x3c: {  	v0 =	vld.idx.msk [tilespmem:v0+s9+$0x0], $0xffff  }
0x3d: {  	v7 =	vadd.s32 $0x1000, v1;
	v4 =	vld.idx.msk [tilespmem:v4+s9+$0x0], $0xffff  }
0x3e: {  	v2 =	vld.idx.msk [tilespmem:v2+s9+$0x0], $0xffff  }
0x3f: {  	v6 =	vld.idx.msk [tilespmem:v6+s9+$0x0], $0xffff;
	_ =	sdelay $0x1  }
0x40: {  	v1 =	vadd.s32 $0x1C00, v1  }
0x41: {  	v7 =	vld.idx.msk [tilespmem:v7+s9+$0x0], $0xffff;
	_ =	sdelay $0x2  }
0x42: {  	v8 =	vld [tilespmem:s12+$0x30]  }
0x43: {  	v1 =	vld.idx.msk [tilespmem:v1+s9+$0x0], $0xffff  }
0x44: {  	[tilespmem:s12+$0x3C20] =	vst v2  }
0x45: {  	[tilespmem:s12+$0x3020] =	vst v4  }
0x46: {  	[tilespmem:s12+$0x2820] =	vst v3  }
0x47: {  	s14 =	sshra.s32 s14, $0x2;
	[tilespmem:s12+$0x3820] =	vst v6  }
0x48: {  	v2 =	vadd.s32 $0xC00, v8;
	[tilespmem:s12+$0x2420] =	vst v5  }
0x49: {  	v3 =	vadd.s32 $0x1C00, v8;
	[tilespmem:s12+$0x2C20] =	vst v0  }
0x4a: {  	v4 =	vld [tilespmem:s14+$0x0];
	[tilespmem:s12+$0x4020] =	vst v1;
	v1 =	vadd.s32 $0x1800, v8  }
0x4b: {  	v5 =	vadd.s32 $0x1400, v8;
	v0 =	vld [tilespmem:s14+$0x10];
	[tilespmem:s12+$0x3420] =	vst v7  }
0x4c: {  	v7 =	vadd.s32 $0x800, v8;
	v6 =	vld.idx.msk [tilespmem:v8+s9+$0x0], $0xffff  }
0x4d: {  	v9 =	vld.idx.msk [tilespmem:v2+s9+$0x0], $0xffff;
	v2 =	vadd.s32 $0x1000, v8  }
0x4e: {  	v8 =	vadd.s32 $0x400, v8;
	v3 =	vld.idx.msk [tilespmem:v3+s9+$0x0], $0xffff  }
0x4f: {  	v1 =	vld.idx.msk [tilespmem:v1+s9+$0x0], $0xffff  }
0x50: {  	v5 =	vld.idx.msk [tilespmem:v5+s9+$0x0], $0xffff  }
0x51: {  	v7 =	vld.idx.msk [tilespmem:v7+s9+$0x0], $0xffff  }
0x52: {  	v10 =	vld.idx.msk [tilespmem:v2+s9+$0x0], $0xffff  }
0x53: {  	v11 =	vadd.s32 $0x800, v4;
	v12 =	vadd.s32 $0xC00, v4;
	v13 =	vadd.s32 $0x1400, v4;
	v8 =	vld.idx.msk [tilespmem:v8+s9+$0x0], $0xffff  }
0x54: {  	v14 =	vadd.s32 $0x400, v4;
	v15 =	vadd.s32 $0x1000, v4;
	v16 =	vadd.s32 $0x1800, v4;
	[tilespmem:s12+$0x4030] =	vst v3  }
0x55: {  	v17 =	vadd.s32 $0x1C00, v4;
	v2 =	vadd.s32 $0x400, v0;
	[tilespmem:s12+$0x3C30] =	vst v1  }
0x56: {  	[tilespmem:s12+$0x3030] =	vst v9  }
0x57: {  	[tilespmem:s12+$0x3830] =	vst v5  }
0x58: {  	[tilespmem:s12+$0x3430] =	vst v10  }
0x59: {  	[tilespmem:s12+$0x2430] =	vst v6  }
0x5a: {  	[tilespmem:s12+$0x2C30] =	vst v7  }
0x5b: {  	[tilespmem:s12+$0x2830] =	vst v8;
	s12 =	smov.u32 s14  }
0x5c: {  	v3 =	vadd.s32 $0x1C00, v0;
	v1 =	vld.idx.msk [tilespmem:v15+s9+$0x0], $0xffff  }
0x5d: {  	v8 =	vld.idx.msk [tilespmem:v4+s9+$0x0], $0xffff;
	v4 =	vadd.s32 $0xC00, v0  }
0x5e: {  	v6 =	vld.idx.msk [tilespmem:v12+s9+$0x0], $0xffff  }
0x5f: {  	v5 =	vadd.s32 $0x1000, v0;
	v9 =	vld.idx.msk [tilespmem:v11+s9+$0x0], $0xffff  }
0x60: {  	v10 =	vld.idx.msk [tilespmem:v14+s9+$0x0], $0xffff  }
0x61: {  	v7 =	vadd.s32 $0x800, v0;
	v11 =	vld.idx.msk [tilespmem:v17+s9+$0x0], $0xffff  }
0x62: {  	v12 =	vld.idx.msk [tilespmem:v16+s9+$0x0], $0xffff  }
0x63: {  	v13 =	vld.idx.msk [tilespmem:v13+s9+$0x0], $0xffff  }
0x64: {  	[tilespmem:s12+$0x3000] =	vst v6;
	v6 =	vadd.s32 $0x1400, v0  }
0x65: {  	[tilespmem:s12+$0x2C00] =	vst v9;
	v9 =	vadd.s32 $0x1800, v0  }
0x66: {  	[tilespmem:s12+$0x2800] =	vst v10  }
0x67: {  	[tilespmem:s12+$0x4000] =	vst v11  }
.Ltmp0:
0x68: {  	[tilespmem:s12+$0x3C00] =	vst v12;
	(pc) =	sbr.rel @p0 .LBB2_2-.Ltmp0, $4  }
0x69: {  	[tilespmem:s12+$0x2400] =	vst v8  }
0x6a: {  	[tilespmem:s12+$0x3400] =	vst v1  }
0x6b: {  	[tilespmem:s12+$0x3800] =	vst v13;
	v1 =	vld [tilespmem:s12+$0x20]  }
0x6c: {  	v8 =	vld.idx.msk [tilespmem:v9+s9+$0x0], $0xffff  }
0x6d: {  	_ =	sdelay $0x3  }
0x6e: {  	v2 =	vld.idx.msk [tilespmem:v2+s9+$0x0], $0xffff  }
0x6f: {  	v7 =	vld.idx.msk [tilespmem:v7+s9+$0x0], $0xffff  }
0x70: {  	v4 =	vld.idx.msk [tilespmem:v4+s9+$0x0], $0xffff  }
0x71: {  	v5 =	vld.idx.msk [tilespmem:v5+s9+$0x0], $0xffff  }
0x72: {  	v6 =	vld.idx.msk [tilespmem:v6+s9+$0x0], $0xffff  }
0x73: {  	v3 =	vld.idx.msk [tilespmem:v3+s9+$0x0], $0xffff  }
0x74: {  	v0 =	vld.idx.msk [tilespmem:v0+s9+$0x0], $0xffff;
	[tilespmem:s12+$0x3C10] =	vst v8  }
0x75: {  	[tilespmem:s12+$0x3010] =	vst v4  }
0x76: {  	[tilespmem:s12+$0x3410] =	vst v5  }
0x77: {  	[tilespmem:s12+$0x3810] =	vst v6  }
0x78: {  	v49 =	vadd.s32 $0x400, v1;
	[tilespmem:s12+$0x4010] =	vst v3  }
0x79: {  	v50 =	vadd.s32 $0x800, v1;
	[tilespmem:s12+$0x2410] =	vst v0  }
0x7a: {  	v52 =	vadd.s32 $0x1800, v1;
	[tilespmem:s12+$0x2C10] =	vst v7  }
0x7b: {  	v56 =	vld [tilespmem:s12+$0x30];
	v51 =	vadd.s32 $0xC00, v1;
	[tilespmem:s12+$0x2810] =	vst v2  }
0x7c: {  	v53 =	vadd.s32 $0x1400, v1;
	v5 =	vld.idx.msk [tilespmem:v1+s9+$0x0], $0xffff  }
0x7d: {  	v54 =	vadd.s32 $0x1000, v1;
	v3 =	vld.idx.msk [tilespmem:v49+s9+$0x0], $0xffff  }
0x7e: {  	v55 =	vadd.s32 $0x1C00, v1;
	v0 =	vld.idx.msk [tilespmem:v50+s9+$0x0], $0xffff  }
0x7f: {  	v2 =	vld.idx.msk [tilespmem:v52+s9+$0x0], $0xffff  }
0x80: {  	v4 =	vld.idx.msk [tilespmem:v51+s9+$0x0], $0xffff  }
0x81: {  	v6 =	vld.idx.msk [tilespmem:v53+s9+$0x0], $0xffff  }
0x82: {  	v7 =	vld.idx.msk [tilespmem:v54+s9+$0x0], $0xffff  }
0x83: {  	v1 =	vld.idx.msk [tilespmem:v55+s9+$0x0], $0xffff;
	[tilespmem:s12+$0x2420] =	vst v5  }
0x84: {  	[tilespmem:s12+$0x3C20] =	vst v2  }
0x85: {  	[tilespmem:s12+$0x3020] =	vst v4  }
0x86: {  	[tilespmem:s12+$0x2820] =	vst v3  }
0x87: {  	v57 =	vadd.s32 $0xC00, v56;
	[tilespmem:s12+$0x3820] =	vst v6  }
0x88: {  	v58 =	vadd.s32 $0x1C00, v56;
	[tilespmem:s12+$0x2C20] =	vst v0  }
0x89: {  	v59 =	vadd.s32 $0x1800, v56;
	[tilespmem:s12+$0x4020] =	vst v1  }
0x8a: {  	v60 =	vadd.s32 $0x1400, v56;
	[tilespmem:s12+$0x3420] =	vst v7  }
0x8b: {  	v61 =	vadd.s32 $0x800, v56;
	v4 =	vld.idx.msk [tilespmem:v56+s9+$0x0], $0xffff  }
0x8c: {  	v62 =	vadd.s32 $0x1000, v56;
	v2 =	vld.idx.msk [tilespmem:v57+s9+$0x0], $0xffff  }
0x8d: {  	v63 =	vadd.s32 $0x400, v56;
	v0 =	vld.idx.msk [tilespmem:v58+s9+$0x0], $0xffff  }
0x8e: {  	v1 =	vld.idx.msk [tilespmem:v59+s9+$0x0], $0xffff  }
0x8f: {  	v3 =	vld.idx.msk [tilespmem:v60+s9+$0x0], $0xffff  }
0x90: {  	v5 =	vld.idx.msk [tilespmem:v61+s9+$0x0], $0xffff  }
0x91: {  	v6 =	vld.idx.msk [tilespmem:v62+s9+$0x0], $0xffff  }
0x92: {  	v7 =	vld.idx.msk [tilespmem:v63+s9+$0x0], $0xffff;
	[tilespmem:s12+$0x4030] =	vst v0  }
0x93: {  	[tilespmem:s12+$0x3C30] =	vst v1  }
0x94: {  	[tilespmem:s12+$0x3030] =	vst v2  }
0x95: {  	[tilespmem:s12+$0x3830] =	vst v3  }
0x96: {  	[tilespmem:s12+$0x3430] =	vst v6  }
0x97: {  	[tilespmem:s12+$0x2430] =	vst v4  }
0x98: {  	[tilespmem:s12+$0x2C30] =	vst v5  }
0x99: {  	[tilespmem:s12+$0x2830] =	vst v7  }
0x9a: {  	[hbm4b:s5+s2] =	stream.linear.scatter [tilespmem:s10], [sflag:$0x1], $0x2000, $0x38;
	[tilespmem:$0x4400] =	vst v63  }
0x9b: {  	s11 =	sadd.s32 $0x1, s11;
	_ =	swait.ge [sflag:s8], $0x2000  }
0x9c: {  	p0 =	sne.s32 s11, s7;
	[sflag:s8] =	ssyncset.done $0x0  }
.Ltmp1:
0x9d: {  	[sflag:s8] =	ssyncadd.s32 $0xFFFFE000;
	(pc) =	sbr.rel @p0 .LBB2_1-.Ltmp1, $4  }
0x9e: {  	[hbm4b:s6+s2] =	stream.linear.scatter [tilespmem:s10], [sflag:$0x1], $0x2000, $0x38;
	[tilespmem:$0x4400] =	vst v63  }
0x9f: {  	_ =	swait.ge [sflag:s8], $0x2000  }
0xa0: {  	[sflag:s8] =	ssyncset.done $0x0  }
0xa1: {  	[sflag:s8] =	ssyncadd.s32 $0xFFFFE000  }
0xa2: {  	_ =	sfence.sel $0x180000  }
0xa3: {  	[bflag:$0x0] =	sbarrier.arrive $0xFFFF  }
0xa4: {  	p0 =	sne.s32 s1, $0x0;
	_ =	strace $0x9000004A  }
0xa5: {  	s0 =	sadd.s32 @!p0 $0x100000, s0;
	[bflag:$0x2] =	sbarrier.arrive $0xFFFF  }
0xa6: {  	[sflag:s0] =	ssyncadd.tile.s32 @!p0 $0x1;
	_ =	shalt  }
.Lfunc_end2:
_tile_overlayer_lowered:
.L_overlay_start_2:
0xa7: {  	(tag) =	ssettag $0x2  }
0xa8: {  	s0 =	rddreg [dreg:$0x0];
	s2 =	stileid.u32  }
0xa9: {  	s1 =	rddreg [dreg:$0x1];
	p0 =	sne.s32 s2, $0x0  }
0xaa: {  	s3 =	rddreg [dreg:$0x2];
	[bflag:$0x3] =	sbarrier.arrive $0xFFFF;
	s2 =	simm.s32 @!p0 $0x1C01  }
0xab: {  	[timem:s3], [sflag:s2] =	dma.local @!p0 [hbm:s0], s1  }
0xac: {  	s0 =	simm.s32 @!p0 $0x1  }
0xad: {  	_ =	swait.ge @!p0 [sflag:s0], s1  }
0xae: {  	s1 =	ssub.s32 @!p0 $0x0, s1;
	[sflag:s0] =	ssyncset.done @!p0 $0x0  }
0xaf: {  	[sflag:s0] =	ssyncadd.s32 @!p0 s1  }
0xb0: {  	[bflag:$0x3] =	sbarrier.arrive $0xFFFF  }
0xb1: {  	_ =	shalt  }

// kernel: kernel.9.cloned.1.call-start
scs
__scs_entry_jumppad:
0x0: {  	(pc) =	sbr.rel $0x88, $3  }
0x1: {  	(tag) =	ssettag $0x0;
	lr =	simm.s32 $0x1  }
0x2: {  	[smem:$0x3F9F] =	sst lr;
	_ =	strace $0xD0000000  }
0x3: {  	_ = 	snop  }
0x4: {  	_ = 	snop  }
0x5: {  	_ = 	snop  }
0x6: {  	_ = 	snop  }
0x7: {  	_ = 	snop  }
__scs_overlays_trampoline_lowered:
0x8: {  	[smem:$0x3FAE] =	sst s0  }
0x9: {  	[smem:$0x3FAF] =	sst s1  }
0xa: {  	[smem:$0x3FB0] =	sst s2  }
0xb: {  	[smem:$0x3FB1] =	sst s3  }
0xc: {  	[smem:$0x3FB2] =	sst s4  }
0xd: {  	[smem:$0x3FB3] =	sst s5  }
0xe: {  	[smem:$0x3FB4] =	sst s6  }
0xf: {  	[smem:$0x3FB5] =	sst s7  }
0x10: {  	[smem:$0x3FB6] =	sst s8  }
0x11: {  	[smem:$0x3FB7] =	sst s9;
	s0 =	simm.s32 @!p0 $0x0  }
0x12: {  	s1 =	sld [smem:$0x3F9D];
	s0 =	simm.s32 @p0 $0x1  }
0x13: {  	[smem:$0x3FB8] =	sst s0;
	s0 =	simm.s32 @!p1 $0x0  }
0x14: {  	s2 =	sld [smem:$0x3F9C];
	s0 =	simm.s32 @p1 $0x1  }
0x15: {  	[smem:$0x3FB9] =	sst s0;
	s0 =	simm.s32 @!p2 $0x0  }
0x16: {  	s3 =	sld [smem:$0x3FDB];
	s0 =	simm.s32 @p2 $0x1  }
0x17: {  	s4 =	simm.s32 $0x1BF5;
	[smem:$0x3FBB] =	sst s0  }
0x18: {  	s0 =	sld [smem:$0x3F9E];
	_ =	swait.ge [sflag:s4], $0x0  }
0x19: {  	s7 =	sld [smem:$0x3F9F]  }
0x1a: {  	s8 =	sadd.s32 $0xFFFFE003, lr  }
0x1b: {  	s9 =	sadd.s32 $0xFFFFFEF7, lr;
	s5 =	simm.s32 $0xFFFFFFFF;
	p2 =	slt.u32 s8, $0xFFFFF086  }
0x1c: {  	p1 =	slt.u32 s9, $0xF7A;
	s5 =	simm.s32 @!p2 $0x0  }
0x1d: {  	s5 =	simm.s32 @p1 $0x1;
	p0 =	seq.s32 s7, s2  }
0x1e: {  	s7 =	smul.u32 @!p0 $0xF7A, s2;
	p2 =	seq.s32 @!p0 s5, $0x0  }
0x1f: {  	s9 =	smul.u32 $0xF7A, s1;
	s8 =	simm.s32 @!p0 $0x1BF5;
	p2 =	por !p2, p0  }
0x20: {  	[sflag:s8] =	ssyncset.s32 @!p0 $0xFFFFF086;
	s6 =	sadd.s32 @!p0 s3, s7;
	s7 =	simm.s32 @!p0 $0x108  }
0x21: {  	s3 =	sadd.s32 s3, s9;
	s6 =	sadd.s32 @!p0 $0x88, s6;
	s7 =	simm.s32 @p2 $0x1082  }
0x22: {  	[simem:s7], [sflag:s8] =	dma.local @!p0 [hbm:s6], $0xF7A  }
0x23: {  	s9 =	sor.u32 $0xD0000000, s2;
	s6 =	simm.s32 $0x108;
	_ =	swait.ge @!p0 [sflag:s8], $0x0  }
0x24: {  	s3 =	sadd.s32 $0x88, s3;
	s6 =	simm.s32 @!p1 $0x1082;
	[sflag:s4] =	ssyncset.s32 $0xFFFFF086  }
0x25: {  	[simem:s6], [sflag:s4] =	dma.local [hbm:s3], $0xF7A  }
0x26: {  	[smem:$0x3F9F] =	sst s1;
	(tag) =	ssettag s2;
	_ =	strace s9  }
0x27: {  	s1 =	sld [smem:$0x3FAF]  }
0x28: {  	s2 =	sld [smem:$0x3FB0]  }
0x29: {  	s4 =	sld [smem:$0x3FB2]  }
0x2a: {  	p0 =	seq.s32 s5, $0x0;
	s5 =	sld [smem:$0x3FB3]  }
0x2b: {  	s6 =	sld [smem:$0x3FB4]  }
0x2c: {  	s7 =	sld [smem:$0x3FB5]  }
0x2d: {  	s3 =	simm.s32 $0x108;
	s8 =	sld [smem:$0x3FB6]  }
0x2e: {  	s3 =	simm.s32 @!p0 $0x1082;
	s9 =	sld [smem:$0x3FB7]  }
0x2f: {  	lr =	sadd.s32 s0, s3;
	s0 =	sld [smem:$0x3FAE]  }
0x30: {  	s3 =	sld [smem:$0x3FB1]  }
0x31: {  	[smem:$0x3FBA] =	sst s10  }
0x32: {  	s10 =	sld [smem:$0x3FB8];
	_ =	sdelay $0x3  }
0x33: {  	p0 =	seq.s32 s10, $0x1;
	s10 =	sld [smem:$0x3FBA];
	_ =	sdelay $0x3  }
0x34: {  	[smem:$0x3FBA] =	sst s10  }
0x35: {  	s10 =	sld [smem:$0x3FB9];
	_ =	sdelay $0x3  }
0x36: {  	p1 =	seq.s32 s10, $0x1;
	s10 =	sld [smem:$0x3FBA];
	_ =	sdelay $0x3  }
0x37: {  	[smem:$0x3FBA] =	sst s10  }
0x38: {  	s10 =	sld [smem:$0x3FBB]  }
0x39: {  	_ = 	snop;
	(pc) =	sbr.ind lr, $3  }
0x3a: {  	_ = 	snop  }
0x3b: {  	_ = 	snop  }
0x3c: {  	p2 =	seq.s32 s10, $0x1;
	s10 =	sld [smem:$0x3FBA]  }
0x3d: {  	_ =	shalt  }
0x3e: {  	_ =	shalt  }
0x3f: {  	_ =	shalt  }
0x40: {  	_ =	shalt  }
0x41: {  	_ =	shalt  }
0x42: {  	_ =	shalt  }
0x43: {  	_ =	shalt  }
0x44: {  	_ =	shalt  }
0x45: {  	_ =	shalt  }
0x46: {  	_ =	shalt  }
0x47: {  	_ =	shalt  }
0x48: {  	_ =	shalt  }
0x49: {  	_ =	shalt  }
0x4a: {  	_ =	shalt  }
0x4b: {  	_ =	shalt  }
0x4c: {  	_ =	shalt  }
0x4d: {  	_ =	shalt  }
0x4e: {  	_ =	shalt  }
0x4f: {  	_ =	shalt  }
0x50: {  	_ =	shalt  }
0x51: {  	_ =	shalt  }
0x52: {  	_ =	shalt  }
0x53: {  	_ =	shalt  }
0x54: {  	_ =	shalt  }
0x55: {  	_ =	shalt  }
0x56: {  	_ =	shalt  }
0x57: {  	_ =	shalt  }
0x58: {  	_ =	shalt  }
0x59: {  	_ =	shalt  }
0x5a: {  	_ =	shalt  }
0x5b: {  	_ =	shalt  }
0x5c: {  	_ =	shalt  }
0x5d: {  	_ =	shalt  }
0x5e: {  	_ =	shalt  }
0x5f: {  	_ =	shalt  }
0x60: {  	_ =	shalt  }
0x61: {  	_ =	shalt  }
0x62: {  	_ =	shalt  }
0x63: {  	_ =	shalt  }
0x64: {  	_ =	shalt  }
0x65: {  	_ =	shalt  }
0x66: {  	_ =	shalt  }
0x67: {  	_ =	shalt  }
0x68: {  	_ =	shalt  }
0x69: {  	_ =	shalt  }
0x6a: {  	_ =	shalt  }
0x6b: {  	_ =	shalt  }
0x6c: {  	_ =	shalt  }
0x6d: {  	_ =	shalt  }
0x6e: {  	_ =	shalt  }
0x6f: {  	_ =	shalt  }
0x70: {  	_ =	shalt  }
0x71: {  	_ =	shalt  }
0x72: {  	_ =	shalt  }
0x73: {  	_ =	shalt  }
0x74: {  	_ =	shalt  }
0x75: {  	_ =	shalt  }
0x76: {  	_ =	shalt  }
0x77: {  	_ =	shalt  }
0x78: {  	_ =	shalt  }
0x79: {  	_ =	shalt  }
0x7a: {  	_ =	shalt  }
0x7b: {  	_ =	shalt  }
0x7c: {  	_ =	shalt  }
0x7d: {  	_ =	shalt  }
0x7e: {  	_ =	shalt  }
0x7f: {  	_ =	shalt  }
0x80: {  	_ =	shalt  }
0x81: {  	_ =	shalt  }
0x82: {  	_ =	shalt  }
0x83: {  	_ =	shalt  }
0x84: {  	_ =	shalt  }
0x85: {  	_ =	shalt  }
0x86: {  	_ =	shalt  }
0x87: {  	_ =	shalt  }
.Lfunc_end0:
.L_simem_size_0:
called_computation.1_lowered:
.L_overlay_start_0:
0x88: {  	s2 =	sld [smem:$0x3FD9]  }
0x89: {  	s3 =	sld [smem:$0x3FFE];
	_ =	sdelay $0x1  }
0x8a: {  	s1 =	srdreg.scid  }
0x8b: {  	s0 =	sand.u32 $0x1, s1  }
0x8c: {  	s16 =	sshll.u32 s0, $0xA;
	s2 =	sadd.s32 s3, s2  }
0x8d: {  	s2 =	sadd.s32 s2, s16  }
0x8e: {  	[smem:$0x3FC6] =	sst s2  }
0x8f: {  	_ = 	snop  }
0x90: {  	(tm) =	ssettm $0x1  }
0x91: {  	s17 =	sld [smem:$0x3FFB];
	_ =	sdelay $0x3  }
0x92: {  	_ =	strace s17  }
0x93: {  	s2 =	sld [smem:$0x3FFC];
	_ =	sdelay $0x3  }
0x94: {  	_ =	strace s2  }
0x95: {  	s2 =	sld [smem:$0x3FFD];
	_ =	sdelay $0x3  }
0x96: {  	_ =	strace s2  }
0x97: {  	_ =	strace $0x8FFFFFFF  }
0x98: {  	s18 =	sld [smem:$0x3FDB];
	_ =	sdelay $0x1  }
0x99: {  	s19 =	simm.s32 $_scs_section_size  }
0x9a: {  	s4 =	simm.s32 $_size__tile_overlayer_lowered;
	s5 =	simm.s32 $_tile_overlayer_lowered  }
0x9b: {  	s22 =	simm.s32 $0x1BFF;
	s21 =	sshll.u32 s5, $0x1;
	s2 =	sadd.s32 s19, s18  }
0x9c: {  	s6 =	simm.s32 $0x0;
	s20 =	sshll.u32 s4, $0x1;
	s4 =	sadd.s32 s21, s2  }
0x9d: {  	[timem:s6], [sflag:s22] =	dma.local [hbm:s4], s20  }
0x9e: {  	_ =	swait.ge [sflag:s22], s20  }
0x9f: {  	s3 =	ssub.s32 $0x0, s20;
	[sflag:s22] =	ssyncset.done $0x0  }
0xa0: {  	[sflag:s22] =	ssyncadd.s32 s3;
	_ =	sdelay $0x1  }
0xa1: {  	s23 =	simm.s32 $0x1B8B  }
0xa2: {  	_ =	swait.ge [sflag:s23], $0x1  }
0xa3: {  	[sflag:s23] =	ssyncset.done $0x0  }
0xa4: {  	s25 =	simm.s32 $0x1B8E;
	s24 =	sld [smem:$0x3FFE];
	[sflag:s23] =	ssyncadd.s32 $0xFFFFFFFF  }
0xa5: {  	s26 =	simm.s32 $execute0_lowered;
	[smem:$0x3FD2] =	sst s25  }
0xa6: {  	s4 =	sshll.u32 s26, $0x1;
	_ =	strace $0x80000046;
	[dreg:$0x1] =	wrdreg $0xFFFFFFFF  }
0xa7: {  	s28 =	simm.s32 $_size_execute0_lowered;
	s2 =	sadd.s32 s2, s4;
	[dreg:$0x0] =	wrdreg $0x0  }
0xa8: {  	s4 =	sshll.u32 s28, $0x1;
	[dreg:$0x2] =	wrdreg s2  }
0xa9: {  	[dreg:$0x3] =	wrdreg s4  }
0xaa: {  	[dreg:$0x4] =	wrdreg $0xC0  }
0xab: {  	_ =	task [dreg:s6], $0x5FFFF  }
0xac: {  	[dreg:$0x1] =	wrdreg $0xFFFFFFFF  }
0xad: {  	[dreg:$0x0] =	wrdreg $0x60  }
0xae: {  	[dreg:$0x2] =	wrdreg s24  }
0xaf: {  	[dreg:$0x3] =	wrdreg $0xA  }
0xb0: {  	_ =	task.clear_ibuf [dreg:s6], $0x4FFFF;
	_ =	strace $0x90000046  }
0xb1: {  	s29 =	simm.s32 $0xA;
	_ =	strace $0x80000048  }
0xb2: {  	_ =	swait.ge [sflag:s29], $0x1  }
0xb3: {  	[sflag:s29] =	ssyncadd.s32 $0xFFFFFFFF  }
0xb4: {  	_ =	strace $0x90000048  }
0xb5: {  	_ =	sfence  }
0xb6: {  	s30 =	sld [smem:$0x0];
	_ =	sdelay $0x2  }
0xb7: {  	s31 =	sshll.u32 s1, $0xD;
	s1 =	sshrl.u32 s1, $0x2  }
0xb8: {  	s3 =	sand.u32 $0x4000, s31;
	s1 =	sadd.s32 s1, s30  }
0xb9: {  	s0 =	sor.u32 s3, s0;
	s1 =	sshll.u32 s1, $0x11  }
0xba: {  	s0 =	sor.u32 s1, s0  }
0xbb: {  	s0 =	sadd.s32 $0x8F2B, s0  }
0xbc: {  	[sflag:s0] =	ssyncadd.remote.s32 $0x1  }
0xbd: {  	_ =	sfence.sel $0xFFFF  }
0xbe: {  	[dreg:$0x0] =	wrdreg $0xFFFFFFFF;
	(pc) =	sbr.abs _section_cstart, $3  }
0xbf: {  	[dreg:$0x1] =	wrdreg $0xFFFFFFFF  }
0xc0: {  	_ =	task.clear_ibuf [dreg:s6], $0x2FFFF;
	_ =	strace $0x9FFFFFFF  }
0xc1: {  	(tm) =	ssettm $0x7FFFFFFF  }
tec
execute0_lowered:
.L_overlay_start_1:
0x0: {  	(tag) =	ssettag $0x1  }
0x1: {  	s3 =	rddreg [dreg:$0x0]  }
0x2: {  	s0 =	rddreg [dreg:$0x1];
	s2 =	simm.s32 $0x0;
	s1 =	stileid.u32  }
0x3: {  	s4 =	srdreg.scid;
	s9 =	simm.s32 $0x400;
	s10 =	simm.s32 $0x2400  }
0x4: {  	s11 =	simm.s32 $0x0;
	[smem:$0x7FF] =	sst s2;
	s5 =	sshll.u32 s1, $0x1  }
0x5: {  	s6 =	sshrl.u32 s1, $0x1;
	s4 =	sand.u32 $0x1, s4;
	s5 =	sand.u32 $0x2, s5  }
0x6: {  	_ =	strace $0x80000047;
	s7 =	sshll.u32 s6, $0x7;
	s5 =	sor.u32 s4, s5  }
0x7: {  	s6 =	sshll.u32 s6, $0xC;
	s4 =	ssub.s32 $0x2, s4;
	s5 =	sshll.u32 s5, $0xA  }
0x8: {  	s7 =	sadd.s32 s7, s3;
	s8 =	sshrl.u32 s4, $0x1;
	s6 =	sor.u32 s6, s5  }
0x9: {  	s5 =	sadd.s32 s5, s3;
	s8 =	ssub.s32 s4, s8;
	s6 =	sadd.s32 s6, s3  }
0xa: {  	s3 =	sadd.s32 $0x1E00, s7;
	s4 =	sadd.s32 $0x2200, s5;
	s7 =	smax.u32 s8, $0x1  }
0xb: {  	s8 =	simm.s32 $0x1;
	s5 =	sadd.s32 $0x3200, s6;
	s6 =	sadd.s32 $0xB200, s6  }
.LBB2_1:
0xc: {  	[tilespmem:s2], [sflag:$0x1] =	stream.linear.gather [hbm4b:s3+s2], $0x400, $0x38;
	[tilespmem:$0x4400] =	vst v63  }
0xd: {  	_ =	swait.ge [sflag:s8], $0x400  }
0xe: {  	[sflag:s8] =	ssyncset.done $0x0  }
0xf: {  	[sflag:s8] =	ssyncadd.s32 $0xFFFFFC00  }
0x10: {  	[tilespmem:s9], [sflag:$0x1] =	stream.linear.gather [hbm4b:s4+s2], $0x2000, $0x38;
	[tilespmem:$0x4400] =	vst v63  }
0x11: {  	_ =	swait.ge [sflag:s8], $0x2000  }
0x12: {  	[sflag:s8] =	ssyncset.done $0x0  }
0x13: {  	s12 =	simm.s32 $0x0;
	[sflag:s8] =	ssyncadd.s32 $0xFFFFE000  }
0x14: {  	v1 =	vld [tilespmem:s12+$0x0];
	_ =	sdelay $0x4  }
0x15: {  	v2 =	vadd.s32 $0x1000, v1  }
0x16: {  	v3 =	vadd.s32 $0xC00, v1  }
0x17: {  	v4 =	vadd.s32 $0x800, v1  }
0x18: {  	v0 =	vld [tilespmem:s12+$0x10];
	v5 =	vadd.s32 $0x400, v1  }
0x19: {  	v6 =	vadd.s32 $0x1C00, v1;
	v8 =	vld.idx.msk [tilespmem:v1+s9+$0x0], $0xffff  }
0x1a: {  	v7 =	vadd.s32 $0x1800, v1;
	v2 =	vld.idx.msk [tilespmem:v2+s9+$0x0], $0xffff  }
0x1b: {  	v1 =	vadd.s32 $0x1400, v1;
	v3 =	vld.idx.msk [tilespmem:v3+s9+$0x0], $0xffff  }
0x1c: {  	v4 =	vld.idx.msk [tilespmem:v4+s9+$0x0], $0xffff  }
0x1d: {  	v5 =	vld.idx.msk [tilespmem:v5+s9+$0x0], $0xffff  }
0x1e: {  	v6 =	vld.idx.msk [tilespmem:v6+s9+$0x0], $0xffff  }
0x1f: {  	v7 =	vld.idx.msk [tilespmem:v7+s9+$0x0], $0xffff  }
0x20: {  	v1 =	vld.idx.msk [tilespmem:v1+s9+$0x0], $0xffff;
	[tilespmem:s12+$0x2400] =	vst v8  }
0x21: {  	[tilespmem:s12+$0x3000] =	vst v3  }
0x22: {  	[tilespmem:s12+$0x2C00] =	vst v4  }
0x23: {  	v9 =	vadd.s32 $0x1800, v0;
	[tilespmem:s12+$0x2800] =	vst v5  }
0x24: {  	[tilespmem:s12+$0x3400] =	vst v2;
	v2 =	vadd.s32 $0x400, v0  }
0x25: {  	[tilespmem:s12+$0x3C00] =	vst v7;
	v7 =	vadd.s32 $0x800, v0  }
0x26: {  	[tilespmem:s12+$0x4000] =	vst v6;
	v4 =	vadd.s32 $0xC00, v0  }
0x27: {  	v5 =	vadd.s32 $0x1000, v0;
	[tilespmem:s12+$0x3800] =	vst v1;
	v1 =	vld [tilespmem:s12+$0x20]  }
0x28: {  	s13 =	simm.s32 $0x100;
	v3 =	vadd.s32 $0x1C00, v0;
	v6 =	vadd.s32 $0x1400, v0;
	v8 =	vld.idx.msk [tilespmem:v9+s9+$0x0], $0xffff  }
.LBB2_2:
0x29: {  	p0 =	sne.s32 s13, $0xF00;
	v2 =	vld.idx.msk [tilespmem:v2+s9+$0x0], $0xffff;
	s14 =	smov.u32 s13;
	s13 =	sadd.s32 $0x100, s13  }
0x2a: {  	v7 =	vld.idx.msk [tilespmem:v7+s9+$0x0], $0xffff  }
0x2b: {  	v4 =	vld.idx.msk [tilespmem:v4+s9+$0x0], $0xffff  }
0x2c: {  	v5 =	vld.idx.msk [tilespmem:v5+s9+$0x0], $0xffff  }
0x2d: {  	v6 =	vld.idx.msk [tilespmem:v6+s9+$0x0], $0xffff  }
0x2e: {  	v3 =	vld.idx.msk [tilespmem:v3+s9+$0x0], $0xffff  }
0x2f: {  	v0 =	vld.idx.msk [tilespmem:v0+s9+$0x0], $0xffff  }
0x30: {  	[tilespmem:s12+$0x3C10] =	vst v8  }
0x31: {  	[tilespmem:s12+$0x3010] =	vst v4  }
0x32: {  	[tilespmem:s12+$0x3410] =	vst v5  }
0x33: {  	[tilespmem:s12+$0x3810] =	vst v6  }
0x34: {  	[tilespmem:s12+$0x4010] =	vst v3;
	v3 =	vadd.s32 $0x400, v1  }
0x35: {  	[tilespmem:s12+$0x2410] =	vst v0;
	v0 =	vadd.s32 $0x800, v1  }
0x36: {  	v4 =	vadd.s32 $0xC00, v1;
	[tilespmem:s12+$0x2C10] =	vst v7  }
0x37: {  	[tilespmem:s12+$0x2810] =	vst v2;
	v2 =	vadd.s32 $0x1800, v1  }
0x38: {  	v6 =	vadd.s32 $0x1400, v1;
	v5 =	vld.idx.msk [tilespmem:v1+s9+$0x0], $0xffff  }
0x39: {  	v3 =	vld.idx.msk [tilespmem:v3+s9+$0x0], $0xffff  }
0x3a: {  	v0 =	vld.idx.msk [tilespmem:v0+s9+$0x0], $0xffff  }
0x3b: {  	v7 =	vadd.s32 $0x1000, v1;
	v4 =	vld.idx.msk [tilespmem:v4+s9+$0x0], $0xffff  }
0x3c: {  	v2 =	vld.idx.msk [tilespmem:v2+s9+$0x0], $0xffff  }
0x3d: {  	v6 =	vld.idx.msk [tilespmem:v6+s9+$0x0], $0xffff;
	_ =	sdelay $0x1  }
0x3e: {  	v1 =	vadd.s32 $0x1C00, v1  }
0x3f: {  	v7 =	vld.idx.msk [tilespmem:v7+s9+$0x0], $0xffff;
	_ =	sdelay $0x2  }
0x40: {  	v8 =	vld [tilespmem:s12+$0x30]  }
0x41: {  	v1 =	vld.idx.msk [tilespmem:v1+s9+$0x0], $0xffff  }
0x42: {  	[tilespmem:s12+$0x3C20] =	vst v2  }
0x43: {  	[tilespmem:s12+$0x3020] =	vst v4  }
0x44: {  	[tilespmem:s12+$0x2820] =	vst v3  }
0x45: {  	s14 =	sshra.s32 s14, $0x2;
	[tilespmem:s12+$0x3820] =	vst v6  }
0x46: {  	v2 =	vadd.s32 $0xC00, v8;
	[tilespmem:s12+$0x2420] =	vst v5  }
0x47: {  	v3 =	vadd.s32 $0x1C00, v8;
	[tilespmem:s12+$0x2C20] =	vst v0  }
0x48: {  	v4 =	vld [tilespmem:s14+$0x0];
	[tilespmem:s12+$0x4020] =	vst v1;
	v1 =	vadd.s32 $0x1800, v8  }
0x49: {  	v5 =	vadd.s32 $0x1400, v8;
	v0 =	vld [tilespmem:s14+$0x10];
	[tilespmem:s12+$0x3420] =	vst v7  }
0x4a: {  	v7 =	vadd.s32 $0x800, v8;
	v6 =	vld.idx.msk [tilespmem:v8+s9+$0x0], $0xffff  }
0x4b: {  	v9 =	vld.idx.msk [tilespmem:v2+s9+$0x0], $0xffff;
	v2 =	vadd.s32 $0x1000, v8  }
0x4c: {  	v8 =	vadd.s32 $0x400, v8;
	v3 =	vld.idx.msk [tilespmem:v3+s9+$0x0], $0xffff  }
0x4d: {  	v1 =	vld.idx.msk [tilespmem:v1+s9+$0x0], $0xffff  }
0x4e: {  	v5 =	vld.idx.msk [tilespmem:v5+s9+$0x0], $0xffff  }
0x4f: {  	v7 =	vld.idx.msk [tilespmem:v7+s9+$0x0], $0xffff  }
0x50: {  	v10 =	vld.idx.msk [tilespmem:v2+s9+$0x0], $0xffff  }
0x51: {  	v11 =	vadd.s32 $0x800, v4;
	v12 =	vadd.s32 $0xC00, v4;
	v13 =	vadd.s32 $0x1400, v4;
	v8 =	vld.idx.msk [tilespmem:v8+s9+$0x0], $0xffff  }
0x52: {  	v14 =	vadd.s32 $0x400, v4;
	v15 =	vadd.s32 $0x1000, v4;
	v16 =	vadd.s32 $0x1800, v4;
	[tilespmem:s12+$0x4030] =	vst v3  }
0x53: {  	v17 =	vadd.s32 $0x1C00, v4;
	v2 =	vadd.s32 $0x400, v0;
	[tilespmem:s12+$0x3C30] =	vst v1  }
0x54: {  	[tilespmem:s12+$0x3030] =	vst v9  }
0x55: {  	[tilespmem:s12+$0x3830] =	vst v5  }
0x56: {  	[tilespmem:s12+$0x3430] =	vst v10  }
0x57: {  	[tilespmem:s12+$0x2430] =	vst v6  }
0x58: {  	[tilespmem:s12+$0x2C30] =	vst v7  }
0x59: {  	[tilespmem:s12+$0x2830] =	vst v8;
	s12 =	smov.u32 s14  }
0x5a: {  	v3 =	vadd.s32 $0x1C00, v0;
	v1 =	vld.idx.msk [tilespmem:v15+s9+$0x0], $0xffff  }
0x5b: {  	v8 =	vld.idx.msk [tilespmem:v4+s9+$0x0], $0xffff;
	v4 =	vadd.s32 $0xC00, v0  }
0x5c: {  	v6 =	vld.idx.msk [tilespmem:v12+s9+$0x0], $0xffff  }
0x5d: {  	v5 =	vadd.s32 $0x1000, v0;
	v9 =	vld.idx.msk [tilespmem:v11+s9+$0x0], $0xffff  }
0x5e: {  	v10 =	vld.idx.msk [tilespmem:v14+s9+$0x0], $0xffff  }
0x5f: {  	v7 =	vadd.s32 $0x800, v0;
	v11 =	vld.idx.msk [tilespmem:v17+s9+$0x0], $0xffff  }
0x60: {  	v12 =	vld.idx.msk [tilespmem:v16+s9+$0x0], $0xffff  }
0x61: {  	v13 =	vld.idx.msk [tilespmem:v13+s9+$0x0], $0xffff  }
0x62: {  	[tilespmem:s12+$0x3000] =	vst v6;
	v6 =	vadd.s32 $0x1400, v0  }
0x63: {  	[tilespmem:s12+$0x2C00] =	vst v9;
	v9 =	vadd.s32 $0x1800, v0  }
0x64: {  	[tilespmem:s12+$0x2800] =	vst v10  }
0x65: {  	[tilespmem:s12+$0x4000] =	vst v11  }
.Ltmp0:
0x66: {  	[tilespmem:s12+$0x3C00] =	vst v12;
	(pc) =	sbr.rel @p0 .LBB2_2-.Ltmp0, $4  }
0x67: {  	[tilespmem:s12+$0x2400] =	vst v8  }
0x68: {  	[tilespmem:s12+$0x3400] =	vst v1  }
0x69: {  	[tilespmem:s12+$0x3800] =	vst v13;
	v1 =	vld [tilespmem:s12+$0x20]  }
0x6a: {  	v8 =	vld.idx.msk [tilespmem:v9+s9+$0x0], $0xffff  }
0x6b: {  	_ =	sdelay $0x3  }
0x6c: {  	v2 =	vld.idx.msk [tilespmem:v2+s9+$0x0], $0xffff  }
0x6d: {  	v7 =	vld.idx.msk [tilespmem:v7+s9+$0x0], $0xffff  }
0x6e: {  	v4 =	vld.idx.msk [tilespmem:v4+s9+$0x0], $0xffff  }
0x6f: {  	v5 =	vld.idx.msk [tilespmem:v5+s9+$0x0], $0xffff  }
0x70: {  	v6 =	vld.idx.msk [tilespmem:v6+s9+$0x0], $0xffff  }
0x71: {  	v3 =	vld.idx.msk [tilespmem:v3+s9+$0x0], $0xffff  }
0x72: {  	v0 =	vld.idx.msk [tilespmem:v0+s9+$0x0], $0xffff;
	[tilespmem:s12+$0x3C10] =	vst v8  }
0x73: {  	[tilespmem:s12+$0x3010] =	vst v4  }
0x74: {  	[tilespmem:s12+$0x3410] =	vst v5  }
0x75: {  	[tilespmem:s12+$0x3810] =	vst v6  }
0x76: {  	v49 =	vadd.s32 $0x400, v1;
	[tilespmem:s12+$0x4010] =	vst v3  }
0x77: {  	v50 =	vadd.s32 $0x800, v1;
	[tilespmem:s12+$0x2410] =	vst v0  }
0x78: {  	v52 =	vadd.s32 $0x1800, v1;
	[tilespmem:s12+$0x2C10] =	vst v7  }
0x79: {  	v56 =	vld [tilespmem:s12+$0x30];
	v51 =	vadd.s32 $0xC00, v1;
	[tilespmem:s12+$0x2810] =	vst v2  }
0x7a: {  	v53 =	vadd.s32 $0x1400, v1;
	v5 =	vld.idx.msk [tilespmem:v1+s9+$0x0], $0xffff  }
0x7b: {  	v54 =	vadd.s32 $0x1000, v1;
	v3 =	vld.idx.msk [tilespmem:v49+s9+$0x0], $0xffff  }
0x7c: {  	v55 =	vadd.s32 $0x1C00, v1;
	v0 =	vld.idx.msk [tilespmem:v50+s9+$0x0], $0xffff  }
0x7d: {  	v2 =	vld.idx.msk [tilespmem:v52+s9+$0x0], $0xffff  }
0x7e: {  	v4 =	vld.idx.msk [tilespmem:v51+s9+$0x0], $0xffff  }
0x7f: {  	v6 =	vld.idx.msk [tilespmem:v53+s9+$0x0], $0xffff  }
0x80: {  	v7 =	vld.idx.msk [tilespmem:v54+s9+$0x0], $0xffff  }
0x81: {  	v1 =	vld.idx.msk [tilespmem:v55+s9+$0x0], $0xffff;
	[tilespmem:s12+$0x2420] =	vst v5  }
0x82: {  	[tilespmem:s12+$0x3C20] =	vst v2  }
0x83: {  	[tilespmem:s12+$0x3020] =	vst v4  }
0x84: {  	[tilespmem:s12+$0x2820] =	vst v3  }
0x85: {  	v57 =	vadd.s32 $0xC00, v56;
	[tilespmem:s12+$0x3820] =	vst v6  }
0x86: {  	v58 =	vadd.s32 $0x1C00, v56;
	[tilespmem:s12+$0x2C20] =	vst v0  }
0x87: {  	v59 =	vadd.s32 $0x1800, v56;
	[tilespmem:s12+$0x4020] =	vst v1  }
0x88: {  	v60 =	vadd.s32 $0x1400, v56;
	[tilespmem:s12+$0x3420] =	vst v7  }
0x89: {  	v61 =	vadd.s32 $0x800, v56;
	v4 =	vld.idx.msk [tilespmem:v56+s9+$0x0], $0xffff  }
0x8a: {  	v62 =	vadd.s32 $0x1000, v56;
	v2 =	vld.idx.msk [tilespmem:v57+s9+$0x0], $0xffff  }
0x8b: {  	v63 =	vadd.s32 $0x400, v56;
	v0 =	vld.idx.msk [tilespmem:v58+s9+$0x0], $0xffff  }
0x8c: {  	v1 =	vld.idx.msk [tilespmem:v59+s9+$0x0], $0xffff  }
0x8d: {  	v3 =	vld.idx.msk [tilespmem:v60+s9+$0x0], $0xffff  }
0x8e: {  	v5 =	vld.idx.msk [tilespmem:v61+s9+$0x0], $0xffff  }
0x8f: {  	v6 =	vld.idx.msk [tilespmem:v62+s9+$0x0], $0xffff  }
0x90: {  	v7 =	vld.idx.msk [tilespmem:v63+s9+$0x0], $0xffff;
	[tilespmem:s12+$0x4030] =	vst v0  }
0x91: {  	[tilespmem:s12+$0x3C30] =	vst v1  }
0x92: {  	[tilespmem:s12+$0x3030] =	vst v2  }
0x93: {  	[tilespmem:s12+$0x3830] =	vst v3  }
0x94: {  	[tilespmem:s12+$0x3430] =	vst v6  }
0x95: {  	[tilespmem:s12+$0x2430] =	vst v4  }
0x96: {  	[tilespmem:s12+$0x2C30] =	vst v5  }
0x97: {  	[tilespmem:s12+$0x2830] =	vst v7  }
0x98: {  	[hbm4b:s5+s2] =	stream.linear.scatter [tilespmem:s10], [sflag:$0x1], $0x2000, $0x38;
	[tilespmem:$0x4400] =	vst v63  }
0x99: {  	s11 =	sadd.s32 $0x1, s11;
	_ =	swait.ge [sflag:s8], $0x2000  }
0x9a: {  	p0 =	sne.s32 s11, s7;
	[sflag:s8] =	ssyncset.done $0x0  }
.Ltmp1:
0x9b: {  	[sflag:s8] =	ssyncadd.s32 $0xFFFFE000;
	(pc) =	sbr.rel @p0 .LBB2_1-.Ltmp1, $4  }
0x9c: {  	[hbm4b:s6+s2] =	stream.linear.scatter [tilespmem:s10], [sflag:$0x1], $0x2000, $0x38;
	[tilespmem:$0x4400] =	vst v63  }
0x9d: {  	_ =	swait.ge [sflag:s8], $0x2000  }
0x9e: {  	[sflag:s8] =	ssyncset.done $0x0  }
0x9f: {  	[sflag:s8] =	ssyncadd.s32 $0xFFFFE000  }
0xa0: {  	_ =	sfence.sel $0x180000  }
0xa1: {  	[bflag:$0x0] =	sbarrier.arrive $0xFFFF  }
0xa2: {  	p0 =	sne.s32 s1, $0x0;
	_ =	strace $0x90000047  }
0xa3: {  	s0 =	sadd.s32 @!p0 $0x100000, s0;
	[bflag:$0x2] =	sbarrier.arrive $0xFFFF  }
0xa4: {  	[sflag:s0] =	ssyncadd.tile.s32 @!p0 $0x1;
	_ =	shalt  }
.Lfunc_end2:
_tile_overlayer_lowered:
.L_overlay_start_2:
0xa5: {  	(tag) =	ssettag $0x2  }
0xa6: {  	s0 =	rddreg [dreg:$0x0];
	s2 =	stileid.u32  }
0xa7: {  	s1 =	rddreg [dreg:$0x1];
	p0 =	sne.s32 s2, $0x0  }
0xa8: {  	s3 =	rddreg [dreg:$0x2];
	[bflag:$0x3] =	sbarrier.arrive $0xFFFF;
	s2 =	simm.s32 @!p0 $0x1C01  }
0xa9: {  	[timem:s3], [sflag:s2] =	dma.local @!p0 [hbm:s0], s1  }
0xaa: {  	s0 =	simm.s32 @!p0 $0x1  }
0xab: {  	_ =	swait.ge @!p0 [sflag:s0], s1  }
0xac: {  	s1 =	ssub.s32 @!p0 $0x0, s1;
	[sflag:s0] =	ssyncset.done @!p0 $0x0  }
0xad: {  	[sflag:s0] =	ssyncadd.s32 @!p0 s1  }
0xae: {  	[bflag:$0x3] =	sbarrier.arrive $0xFFFF  }
0xaf: {  	_ =	shalt  }

</sc_bundles>
